<compile_context>
chip_gen: v7x
topology: tpu7x:2x2x1
jax: 0.10.2.dev20260603
libtpu: 0.0.44.dev20260713+nightly
codegen_flags: <defaults>
</compile_context>

<pallas_src>
import functools

import jax
import jax.numpy as jnp
from jax import lax
from jax.experimental import pallas as pl
from jax.experimental.pallas import tpu as pltpu
from jax.experimental.pallas import tpu_sc as plsc

E = 16
TOP_K = 2
T = 2048
H = 1024
F = 1024
SCALE = 2.5
TILE_M = 128
NT = 48
R_PAD = NT * TILE_M
NW = 32
SHARE = R_PAD // NW
TCHUNK = T // NW


def _router_body(hs_ref, gwt_ref, d0_ref, d1_ref, w0_ref, w1_ref, tg_ref, na_ref):
    hs = hs_ref[...]
    logits = jnp.dot(hs, gwt_ref[...], preferred_element_type=jnp.float32)
    s = jax.nn.sigmoid(logits)
    col = lax.broadcasted_iota(jnp.int32, (T, E), 1)
    m1 = jnp.max(s, axis=1, keepdims=True)
    i1 = jnp.min(jnp.where(s == m1, col, E), axis=1, keepdims=True)
    oh0 = col == i1
    s2 = jnp.where(oh0, -1.0, s)
    m2 = jnp.max(s2, axis=1, keepdims=True)
    i2 = jnp.min(jnp.where(s2 == m2, col, E), axis=1, keepdims=True)
    oh1 = col == i2
    denom = m1 + m2 + 1e-20
    w0_ref[...] = m1 / denom * SCALE
    w1_ref[...] = m2 / denom * SCALE

    f0 = oh0.astype(jnp.float32)
    f1 = oh1.astype(jnp.float32)

    def cuminc(x):
        sh = 1
        while sh < T:
            x = x + jnp.concatenate(
                [jnp.zeros((sh, E), jnp.float32), x[:-sh]], axis=0)
            sh *= 2
        return x

    c0 = cuminc(f0)
    c1 = cuminc(f1)
    tot0 = c0[T - 1:T, :]
    counts = tot0 + c1[T - 1:T, :]
    pc = jnp.ceil(counts / TILE_M) * TILE_M
    ic = pc
    sh = 1
    while sh < E:
        ic = ic + jnp.concatenate(
            [jnp.zeros((1, sh), jnp.float32), ic[:, :-sh]], axis=1)
        sh *= 2
    astart = ic - pc
    rank0 = jnp.sum(c0 * f0, axis=1, keepdims=True) - 1.0
    rank1 = jnp.sum((tot0 + c1) * f1, axis=1, keepdims=True) - 1.0
    d0_ref[...] = (jnp.sum(astart * f0, axis=1, keepdims=True) + rank0
                   ).astype(jnp.int32)
    d1_ref[...] = (jnp.sum(astart * f1, axis=1, keepdims=True) + rank1
                   ).astype(jnp.int32)

    total = jnp.sum(pc)
    na_ref[...] = jnp.broadcast_to(total / TILE_M, (1, 1)).astype(jnp.int32)
    rs = lax.broadcasted_iota(jnp.int32, (NT, 1), 0).astype(jnp.float32) \
        * TILE_M
    aend = astart + pc
    tg = jnp.sum((aend <= rs).astype(jnp.float32), axis=1, keepdims=True)
    tg_last = jnp.sum((aend <= total - TILE_M).astype(jnp.float32), axis=1,
                      keepdims=True)
    tg_ref[...] = jnp.where(rs < total, tg, tg_last).astype(jnp.int32)


def _router_call(hs, gwt, interpret=False):
    return pl.pallas_call(
        _router_body,
        out_shape=(
            jax.ShapeDtypeStruct((T, 1), jnp.int32),
            jax.ShapeDtypeStruct((T, 1), jnp.int32),
            jax.ShapeDtypeStruct((T, 1), jnp.float32),
            jax.ShapeDtypeStruct((T, 1), jnp.float32),
            jax.ShapeDtypeStruct((NT, 1), jnp.int32),
            jax.ShapeDtypeStruct((1, 1), jnp.int32),
        ),
        interpret=interpret,
    )(hs, gwt)


def _dispatch_call(d_all, w_all, hs):
    mesh = plsc.VectorSubcoreMesh(core_axis_name="c", subcore_axis_name="s")

    @functools.partial(
        pl.kernel,
        out_type=(
            jax.ShapeDtypeStruct((R_PAD, H), jnp.float32),
            jax.ShapeDtypeStruct((R_PAD,), jnp.float32),
        ),
        mesh=mesh,
        scratch_types=[
            pltpu.VMEM((TILE_M,), jnp.int32),
            pltpu.VMEM((TILE_M,), jnp.int32),
            pltpu.VMEM((TILE_M,), jnp.float32),
            pltpu.VMEM((SHARE,), jnp.int32),
            pltpu.VMEM((SHARE,), jnp.float32),
            pltpu.VMEM((64, H), jnp.float32),
            pltpu.VMEM_SHARED((R_PAD,), jnp.int32),
            pltpu.VMEM_SHARED((R_PAD,), jnp.float32),
            pltpu.SemaphoreType.DMA,
        ],
    )
    def kb(d_hbm, w_hbm, hs_hbm, xs_hbm, sw_hbm,
           di_v, ti_v, wp_v, st_v, swl_v, rows_v, st_sh, sw_sh, sem):
        c = lax.axis_index("c")
        s = lax.axis_index("s")
        wid = s * 2 + c
        for i in range(TILE_M // 16):
            ti_v[pl.ds(i * 16, 16)] = s * TILE_M + i * 16 + lax.iota(jnp.int32, 16)
        for k in range(TOP_K):
            off = k * T + s * TILE_M
            pltpu.sync_copy(d_hbm.at[pl.ds(off, TILE_M)], di_v)
            pltpu.sync_copy(w_hbm.at[pl.ds(off, TILE_M)], wp_v)
            pltpu.sync_copy(ti_v, st_sh.at[di_v])
            pltpu.sync_copy(wp_v, sw_sh.at[di_v])
        plsc.subcore_barrier()
        base = wid * SHARE
        pltpu.sync_copy(st_sh.at[pl.ds(base, SHARE)], st_v)
        pltpu.sync_copy(sw_sh.at[pl.ds(base, SHARE)], swl_v)
        pltpu.sync_copy(swl_v, sw_hbm.at[pl.ds(base, SHARE)])
        for i in range(SHARE // 16):
            v = st_v[pl.ds(i * 16, 16)]
            st_v[pl.ds(i * 16, 16)] = jnp.clip(v, 0, T - 1)
        for ch in range(SHARE // 64):
            pltpu.async_copy(
                hs_hbm.at[st_v.at[pl.ds(ch * 64, 64)]], rows_v, sem).wait()
            pltpu.sync_copy(rows_v, xs_hbm.at[pl.ds(base + ch * 64, 64)])

    return kb(d_all, w_all, hs)


def _mlp_body(tg_ref, na_ref, xs_ref, sw_ref, wgu_ref, gub_ref,
              dp_ref, dpb_ref, out_ref):
    m = pl.program_id(0)

    @pl.when(m < na_ref[0])
    def _():
        x = xs_ref[...]
        gu_t = lax.dot_general(wgu_ref[0], x,
                               (((0,), (1,)), ((), ())),
                               preferred_element_type=jnp.float32)
        gu3 = gu_t.reshape(F, 2, TILE_M)
        b = gub_ref[0]
        gate_t = gu3[:, 0, :] + b[:, 0:1]
        up_t = gu3[:, 1, :] + b[:, 1:2]
        act_t = gate_t * jax.nn.sigmoid(gate_t) * up_t
        out = lax.dot_general(act_t, dp_ref[0],
                              (((0,), (0,)), ((), ())),
                              preferred_element_type=jnp.float32)
        out_ref[...] = (out + dpb_ref[0]) * sw_ref[...]


def _mlp_call(tg, na, xs, sw2d, wgu, gub, dp, dpb, interpret=False):
    grid_spec = pltpu.PrefetchScalarGridSpec(
        num_scalar_prefetch=2,
        grid=(NT,),
        in_specs=[
            pl.BlockSpec((TILE_M, H),
                         lambda m, tg, na: (jnp.minimum(m, na[0] - 1), 0)),
            pl.BlockSpec((TILE_M, 1),
                         lambda m, tg, na: (jnp.minimum(m, na[0] - 1), 0)),
            pl.BlockSpec((1, H, 2 * F), lambda m, tg, na: (tg[m], 0, 0)),
            pl.BlockSpec((1, F, 2), lambda m, tg, na: (tg[m], 0, 0)),
            pl.BlockSpec((1, F, H), lambda m, tg, na: (tg[m], 0, 0)),
            pl.BlockSpec((1, 1, H), lambda m, tg, na: (tg[m], 0, 0)),
        ],
        out_specs=pl.BlockSpec((TILE_M, H), lambda m, tg, na: (m, 0)),
    )
    return pl.pallas_call(
        _mlp_body,
        grid_spec=grid_spec,
        out_shape=jax.ShapeDtypeStruct((R_PAD, H), jnp.float32),
        compiler_params=pltpu.CompilerParams(
            dimension_semantics=("arbitrary",)),
        interpret=interpret,
    )(tg, na, xs, sw2d, wgu, gub, dp, dpb)


def _combine_call(d0, d1, mlp):
    mesh = plsc.VectorSubcoreMesh(core_axis_name="c", subcore_axis_name="s")

    @functools.partial(
        pl.kernel,
        out_type=(
            jax.ShapeDtypeStruct((T, H), jnp.float32),
            jax.ShapeDtypeStruct((T, H), jnp.float32),
        ),
        mesh=mesh,
        scratch_types=[
            pltpu.VMEM((TCHUNK,), jnp.int32),
            pltpu.VMEM((TCHUNK,), jnp.int32),
            pltpu.VMEM((32, H), jnp.float32),
            pltpu.VMEM((32, H), jnp.float32),
            pltpu.SemaphoreType.DMA,
            pltpu.SemaphoreType.DMA,
        ],
    )
    def kc(d0_hbm, d1_hbm, mlp_hbm, r0_hbm, r1_hbm,
           d0_v, d1_v, r0_v, r1_v, sem0, sem1):
        c = lax.axis_index("c")
        s = lax.axis_index("s")
        wid = s * 2 + c
        base = wid * TCHUNK
        pltpu.sync_copy(d0_hbm.at[pl.ds(base, TCHUNK)], d0_v)
        pltpu.sync_copy(d1_hbm.at[pl.ds(base, TCHUNK)], d1_v)
        for ch in range(TCHUNK // 32):
            cp0 = pltpu.async_copy(
                mlp_hbm.at[d0_v.at[pl.ds(ch * 32, 32)]], r0_v, sem0)
            cp1 = pltpu.async_copy(
                mlp_hbm.at[d1_v.at[pl.ds(ch * 32, 32)]], r1_v, sem1)
            cp0.wait()
            cp1.wait()
            pltpu.sync_copy(r0_v, r0_hbm.at[pl.ds(base + ch * 32, 32)])
            pltpu.sync_copy(r1_v, r1_hbm.at[pl.ds(base + ch * 32, 32)])

    return kc(d0, d1, mlp)


def _add_body(a_ref, b_ref, o_ref):
    o_ref[...] = a_ref[...] + b_ref[...]


def _add_call(a, b, interpret=False):
    return pl.pallas_call(
        _add_body,
        grid=(8,),
        in_specs=[pl.BlockSpec((T // 8, H), lambda i: (i, 0)),
                  pl.BlockSpec((T // 8, H), lambda i: (i, 0))],
        out_specs=pl.BlockSpec((T // 8, H), lambda i: (i, 0)),
        out_shape=jax.ShapeDtypeStruct((T, H), jnp.float32),
        interpret=interpret,
    )(a, b)


def kernel(hidden_states, gate_weight, gate_up_proj, gate_up_proj_bias,
           down_proj, down_proj_bias):
    d0, d1, w0, w1, tg, na = _router_call(hidden_states, gate_weight.T)
    d0 = d0.reshape(T)
    d1 = d1.reshape(T)
    d_all = jnp.concatenate([d0, d1])
    w_all = jnp.concatenate([w0.reshape(T), w1.reshape(T)])
    xs, sw = _dispatch_call(d_all, w_all, hidden_states)
    mlp = _mlp_call(tg.reshape(NT), na.reshape(1), xs, sw.reshape(R_PAD, 1),
                    gate_up_proj, gate_up_proj_bias.reshape(E, F, 2),
                    down_proj, down_proj_bias.reshape(E, 1, H))
    r0, r1 = _combine_call(d0, d1, mlp)
    return _add_call(r0, r1)

# --- scband reference (transcript-rebuilt; emitter-appended) ---
"""Pipeline reference for scband-deepseek-v3-mo-eto-a2-aadapter-35983236006085 (READ-ONLY COPY).

The authoritative reference and input builder live on the scoring server;
editing this copy changes nothing except your own understanding.
"""

import jax, jax.numpy as jnp
import numpy as np

E = 16
TOP_K = 2
D_MODEL = 1024
D_FF = 1024
ROUTED_SCALING = 2.5
T = 2048  # batch=1 * seq_len=2048 tokens, pre-flattened


def setup_inputs(seed: int = 0) -> dict:
    key = jax.random.key(seed)
    ks = jax.random.split(key, 5)
    hidden_states = jax.random.normal(ks[0], (T, D_MODEL), dtype=jnp.float32)
    gate_weight = 0.02 * jax.random.normal(ks[1], (E, D_MODEL), dtype=jnp.float32)
    gate_up_proj = 0.02 * jax.random.normal(ks[2], (E, D_MODEL, 2 * D_FF), dtype=jnp.float32)
    gate_up_proj_bias = jnp.zeros((E, 2 * D_FF), dtype=jnp.float32)
    down_proj = 0.02 * jax.random.normal(ks[3], (E, D_FF, D_MODEL), dtype=jnp.float32)
    down_proj_bias = jnp.zeros((E, D_MODEL), dtype=jnp.float32)
    return {
        "hidden_states": hidden_states,
        "gate_weight": gate_weight,
        "gate_up_proj": gate_up_proj,
        "gate_up_proj_bias": gate_up_proj_bias,
        "down_proj": down_proj,
        "down_proj_bias": down_proj_bias,
    }


def _router(hidden_states, gate_weight):
    # MoEGate (DeepseekV3, sigmoid scoring) -> RouterAdapter dense-score scatter
    logits = hidden_states @ gate_weight.T                      # [T, E]
    s = jax.nn.sigmoid(logits)
    topk_w, topk_idx = jax.lax.top_k(s, TOP_K)                  # [T, K]
    denom = jnp.sum(topk_w, axis=-1, keepdims=True) + 1e-20    # norm_topk_prob
    topk_w = topk_w / denom * ROUTED_SCALING
    t = hidden_states.shape[0]
    scores = jnp.zeros((t, E), dtype=topk_w.dtype)
    scores = scores.at[jnp.arange(t)[:, None], topk_idx].set(topk_w)  # scatter_(1, idx, w)
    return scores, topk_idx


def reference(hidden_states, gate_weight, gate_up_proj, gate_up_proj_bias, down_proj, down_proj_bias):
    scores, topk_idx = _router(hidden_states, gate_weight)
    # A2aSparseMLP expert math with interleaved gate/up layout:
    #   gate = cols 0::2, up = cols 1::2 of gate_up_proj [E, H, 2I]
    gu = jnp.einsum('th,ehf->etf', hidden_states, gate_up_proj) + gate_up_proj_bias[:, None, :]
    gate = gu[..., 0::2]
    up = gu[..., 1::2]
    act = jax.nn.silu(gate) * up                                # [E, T, I]
    out_e = jnp.einsum('eti,eih->eth', act, down_proj) + down_proj_bias[:, None, :]
    # combine with dense router scores (zeros for non-selected experts)
    y = jnp.einsum('te,eth->th', scores, out_e)                 # [T, H]
    return y

if __name__ == "__main__":
    import jax
    _d = setup_inputs()
    print(jax.jit(kernel)(*tuple(_d.values())))

</pallas_src>

<mosaic_0001>
#map = affine_map<(d0, d1) -> (0)>
#map1 = affine_map<(d0, d1) -> (0, 0)>
module attributes {stable_mosaic.version = 14 : i64} {
  func.func @kb(%arg0: i32, %arg1: i32, %arg2: memref<4096xi32, #tpu.memory_space<hbm>>, %arg3: memref<4096xf32, #tpu.memory_space<hbm>>, %arg4: memref<2048x1024xf32, #tpu.memory_space<hbm>>, %arg5: memref<6144x1024xf32, #tpu.memory_space<hbm>>, %arg6: memref<6144xf32, #tpu.memory_space<hbm>>, %arg7: memref<128xi32, #tpu.memory_space<vmem>>, %arg8: memref<128xi32, #tpu.memory_space<vmem>>, %arg9: memref<128xf32, #tpu.memory_space<vmem>>, %arg10: memref<192xi32, #tpu.memory_space<vmem>>, %arg11: memref<192xf32, #tpu.memory_space<vmem>>, %arg12: memref<64x1024xf32, #tpu.memory_space<vmem>>, %arg13: memref<6144xi32, #tpu.memory_space<vmem_shared>>, %arg14: memref<6144xf32, #tpu.memory_space<vmem_shared>>, %arg15: memref<!tpu.dma_semaphore, #tpu.memory_space<semaphore_mem>>) attributes {dimension_semantics = [#tpu.dimension_semantics<core_parallel>, #tpu.dimension_semantics<subcore_parallel>], iteration_bounds = array<i64: 2, 16>, scalar_prefetch = 0 : i64, scratch_operands = 9 : i64, tpu.core_type = #tpu.core_type<sc_vector_subcore>, window_params = [{transform_indices = #map}, {transform_indices = #map}, {transform_indices = #map1}, {transform_indices = #map1}, {transform_indices = #map}]} {
    %mul3A = arith.constant 2 : i32
    %mul3A_0 = arith.muli %arg1, %mul3A : i32
    %add3A = arith.addi %mul3A_0, %arg0 : i32
    %mul3A_1 = arith.constant 128 : i32
    %mul3A_2 = arith.muli %arg1, %mul3A_1 : i32
    %add3A_3 = arith.constant 0 : i32
    %add3A_4 = arith.addi %mul3A_2, %add3A_3 : i32
    %iota3A = tpu.iota {dimensions = array<i32: 0>} : vector<16xi32>
    %add3A_5 = vector.broadcast %add3A_4 : i32 to vector<16xi32>
    %add3A_6 = arith.addi %add3A_5, %iota3A : vector<16xi32>
    %swap3A = arith.constant 0 : index
    %swap3A_7 = tpu.vector_load %arg8[%swap3A] {strides = array<i32>} : memref<128xi32, #tpu.memory_space<vmem>>, vector<16xi32>,
    %swap3A_8 = vector.shape_cast %swap3A_7 : vector<16xi32> to vector<16xi32>
    %swap3A_9 = vector.shape_cast %add3A_6 : vector<16xi32> to vector<16xi32>
    tpu.vector_store %arg8[%swap3A], %swap3A_9 {strides = array<i32>} : memref<128xi32, #tpu.memory_space<vmem>>, vector<16xi32>,
    %mul3A_10 = arith.constant 128 : i32
    %mul3A_11 = arith.muli %arg1, %mul3A_10 : i32
    %add3A_12 = arith.constant 16 : i32
    %add3A_13 = arith.addi %mul3A_11, %add3A_12 : i32
    %iota3A_14 = tpu.iota {dimensions = array<i32: 0>} : vector<16xi32>
    %add3A_15 = vector.broadcast %add3A_13 : i32 to vector<16xi32>
    %add3A_16 = arith.addi %add3A_15, %iota3A_14 : vector<16xi32>
    %swap3A_17 = arith.constant 16 : index
    %swap3A_18 = tpu.vector_load %arg8[%swap3A_17] {strides = array<i32>} : memref<128xi32, #tpu.memory_space<vmem>>, vector<16xi32>,
    %swap3A_19 = vector.shape_cast %swap3A_18 : vector<16xi32> to vector<16xi32>
    %swap3A_20 = vector.shape_cast %add3A_16 : vector<16xi32> to vector<16xi32>
    tpu.vector_store %arg8[%swap3A_17], %swap3A_20 {strides = array<i32>} : memref<128xi32, #tpu.memory_space<vmem>>, vector<16xi32>,
    %mul3A_21 = arith.constant 128 : i32
    %mul3A_22 = arith.muli %arg1, %mul3A_21 : i32
    %add3A_23 = arith.constant 32 : i32
    %add3A_24 = arith.addi %mul3A_22, %add3A_23 : i32
    %iota3A_25 = tpu.iota {dimensions = array<i32: 0>} : vector<16xi32>
    %add3A_26 = vector.broadcast %add3A_24 : i32 to vector<16xi32>
    %add3A_27 = arith.addi %add3A_26, %iota3A_25 : vector<16xi32>
    %swap3A_28 = arith.constant 32 : index
    %swap3A_29 = tpu.vector_load %arg8[%swap3A_28] {strides = array<i32>} : memref<128xi32, #tpu.memory_space<vmem>>, vector<16xi32>,
    %swap3A_30 = vector.shape_cast %swap3A_29 : vector<16xi32> to vector<16xi32>
    %swap3A_31 = vector.shape_cast %add3A_27 : vector<16xi32> to vector<16xi32>
    tpu.vector_store %arg8[%swap3A_28], %swap3A_31 {strides = array<i32>} : memref<128xi32, #tpu.memory_space<vmem>>, vector<16xi32>,
    %mul3A_32 = arith.constant 128 : i32
    %mul3A_33 = arith.muli %arg1, %mul3A_32 : i32
    %add3A_34 = arith.constant 48 : i32
    %add3A_35 = arith.addi %mul3A_33, %add3A_34 : i32
    %iota3A_36 = tpu.iota {dimensions = array<i32: 0>} : vector<16xi32>
    %add3A_37 = vector.broadcast %add3A_35 : i32 to vector<16xi32>
    %add3A_38 = arith.addi %add3A_37, %iota3A_36 : vector<16xi32>
    %swap3A_39 = arith.constant 48 : index
    %swap3A_40 = tpu.vector_load %arg8[%swap3A_39] {strides = array<i32>} : memref<128xi32, #tpu.memory_space<vmem>>, vector<16xi32>,
    %swap3A_41 = vector.shape_cast %swap3A_40 : vector<16xi32> to vector<16xi32>
    %swap3A_42 = vector.shape_cast %add3A_38 : vector<16xi32> to vector<16xi32>
    tpu.vector_store %arg8[%swap3A_39], %swap3A_42 {strides = array<i32>} : memref<128xi32, #tpu.memory_space<vmem>>, vector<16xi32>,
    %mul3A_43 = arith.constant 128 : i32
    %mul3A_44 = arith.muli %arg1, %mul3A_43 : i32
    %add3A_45 = arith.constant 64 : i32
    %add3A_46 = arith.addi %mul3A_44, %add3A_45 : i32
    %iota3A_47 = tpu.iota {dimensions = array<i32: 0>} : vector<16xi32>
    %add3A_48 = vector.broadcast %add3A_46 : i32 to vector<16xi32>
    %add3A_49 = arith.addi %add3A_48, %iota3A_47 : vector<16xi32>
    %swap3A_50 = arith.constant 64 : index
    %swap3A_51 = tpu.vector_load %arg8[%swap3A_50] {strides = array<i32>} : memref<128xi32, #tpu.memory_space<vmem>>, vector<16xi32>,
    %swap3A_52 = vector.shape_cast %swap3A_51 : vector<16xi32> to vector<16xi32>
    %swap3A_53 = vector.shape_cast %add3A_49 : vector<16xi32> to vector<16xi32>
    tpu.vector_store %arg8[%swap3A_50], %swap3A_53 {strides = array<i32>} : memref<128xi32, #tpu.memory_space<vmem>>, vector<16xi32>,
    %mul3A_54 = arith.constant 128 : i32
    %mul3A_55 = arith.muli %arg1, %mul3A_54 : i32
    %add3A_56 = arith.constant 80 : i32
    %add3A_57 = arith.addi %mul3A_55, %add3A_56 : i32
    %iota3A_58 = tpu.iota {dimensions = array<i32: 0>} : vector<16xi32>
    %add3A_59 = vector.broadcast %add3A_57 : i32 to vector<16xi32>
    %add3A_60 = arith.addi %add3A_59, %iota3A_58 : vector<16xi32>
    %swap3A_61 = arith.constant 80 : index
    %swap3A_62 = tpu.vector_load %arg8[%swap3A_61] {strides = array<i32>} : memref<128xi32, #tpu.memory_space<vmem>>, vector<16xi32>,
    %swap3A_63 = vector.shape_cast %swap3A_62 : vector<16xi32> to vector<16xi32>
    %swap3A_64 = vector.shape_cast %add3A_60 : vector<16xi32> to vector<16xi32>
    tpu.vector_store %arg8[%swap3A_61], %swap3A_64 {strides = array<i32>} : memref<128xi32, #tpu.memory_space<vmem>>, vector<16xi32>,
    %mul3A_65 = arith.constant 128 : i32
    %mul3A_66 = arith.muli %arg1, %mul3A_65 : i32
    %add3A_67 = arith.constant 96 : i32
    %add3A_68 = arith.addi %mul3A_66, %add3A_67 : i32
    %iota3A_69 = tpu.iota {dimensions = array<i32: 0>} : vector<16xi32>
    %add3A_70 = vector.broadcast %add3A_68 : i32 to vector<16xi32>
    %add3A_71 = arith.addi %add3A_70, %iota3A_69 : vector<16xi32>
    %swap3A_72 = arith.constant 96 : index
    %swap3A_73 = tpu.vector_load %arg8[%swap3A_72] {strides = array<i32>} : memref<128xi32, #tpu.memory_space<vmem>>, vector<16xi32>,
    %swap3A_74 = vector.shape_cast %swap3A_73 : vector<16xi32> to vector<16xi32>
    %swap3A_75 = vector.shape_cast %add3A_71 : vector<16xi32> to vector<16xi32>
    tpu.vector_store %arg8[%swap3A_72], %swap3A_75 {strides = array<i32>} : memref<128xi32, #tpu.memory_space<vmem>>, vector<16xi32>,
    %mul3A_76 = arith.constant 128 : i32
    %mul3A_77 = arith.muli %arg1, %mul3A_76 : i32
    %add3A_78 = arith.constant 112 : i32
    %add3A_79 = arith.addi %mul3A_77, %add3A_78 : i32
    %iota3A_80 = tpu.iota {dimensions = array<i32: 0>} : vector<16xi32>
    %add3A_81 = vector.broadcast %add3A_79 : i32 to vector<16xi32>
    %add3A_82 = arith.addi %add3A_81, %iota3A_80 : vector<16xi32>
    %swap3A_83 = arith.constant 112 : index
    %swap3A_84 = tpu.vector_load %arg8[%swap3A_83] {strides = array<i32>} : memref<128xi32, #tpu.memory_space<vmem>>, vector<16xi32>,
    %swap3A_85 = vector.shape_cast %swap3A_84 : vector<16xi32> to vector<16xi32>
    %swap3A_86 = vector.shape_cast %add3A_82 : vector<16xi32> to vector<16xi32>
    tpu.vector_store %arg8[%swap3A_83], %swap3A_86 {strides = array<i32>} : memref<128xi32, #tpu.memory_space<vmem>>, vector<16xi32>,
    %mul3A_87 = arith.constant 128 : i32
    %mul3A_88 = arith.muli %arg1, %mul3A_87 : i32
    %add3A_89 = arith.constant 0 : i32
    %add3A_90 = arith.addi %add3A_89, %mul3A_88 : i32
    "tpu.region"() ({
      %run_scoped3A = tpu.sem_alloc : memref<!tpu.dma_semaphore, #tpu.memory_space<semaphore_mem>>
      %dma_start3A_283 = tpu.memref_slice %arg2[%add3A_90] : memref<4096xi32, #tpu.memory_space<hbm>> -> memref<128xi32, #tpu.memory_space<hbm>>
      %dma_start3A_284 = tpu.memref_slice %arg2[%add3A_90] : memref<4096xi32, #tpu.memory_space<hbm>> -> memref<128xi32, #tpu.memory_space<hbm>>
      tpu.enqueue_dma source(%dma_start3A_284 : memref<128xi32, #tpu.memory_space<hbm>>) target(%arg7 : memref<128xi32, #tpu.memory_space<vmem>>) target_semaphore(%run_scoped3A : memref<!tpu.dma_semaphore, #tpu.memory_space<semaphore_mem>>)
      %dma_wait3A_285 = tpu.memref_slice %arg2[%add3A_90] : memref<4096xi32, #tpu.memory_space<hbm>> -> memref<128xi32, #tpu.memory_space<hbm>>
      %dma_wait3A_286 = tpu.memref_slice %arg2[%add3A_90] : memref<4096xi32, #tpu.memory_space<hbm>> -> memref<128xi32, #tpu.memory_space<hbm>>
      tpu.wait_dma2 semaphore(%run_scoped3A : memref<!tpu.dma_semaphore, #tpu.memory_space<semaphore_mem>>) src(%dma_wait3A_286 : memref<128xi32, #tpu.memory_space<hbm>>) dst(%arg7 : memref<128xi32, #tpu.memory_space<vmem>>)
      tpu.yield
    }) : () -> ()
    "tpu.region"() ({
      %run_scoped3A = tpu.sem_alloc : memref<!tpu.dma_semaphore, #tpu.memory_space<semaphore_mem>>
      %dma_start3A_283 = tpu.memref_slice %arg3[%add3A_90] : memref<4096xf32, #tpu.memory_space<hbm>> -> memref<128xf32, #tpu.memory_space<hbm>>
      %dma_start3A_284 = tpu.memref_slice %arg3[%add3A_90] : memref<4096xf32, #tpu.memory_space<hbm>> -> memref<128xf32, #tpu.memory_space<hbm>>
      tpu.enqueue_dma source(%dma_start3A_284 : memref<128xf32, #tpu.memory_space<hbm>>) target(%arg9 : memref<128xf32, #tpu.memory_space<vmem>>) target_semaphore(%run_scoped3A : memref<!tpu.dma_semaphore, #tpu.memory_space<semaphore_mem>>)
      %dma_wait3A_285 = tpu.memref_slice %arg3[%add3A_90] : memref<4096xf32, #tpu.memory_space<hbm>> -> memref<128xf32, #tpu.memory_space<hbm>>
      %dma_wait3A_286 = tpu.memref_slice %arg3[%add3A_90] : memref<4096xf32, #tpu.memory_space<hbm>> -> memref<128xf32, #tpu.memory_space<hbm>>
      tpu.wait_dma2 semaphore(%run_scoped3A : memref<!tpu.dma_semaphore, #tpu.memory_space<semaphore_mem>>) src(%dma_wait3A_286 : memref<128xf32, #tpu.memory_space<hbm>>) dst(%arg9 : memref<128xf32, #tpu.memory_space<vmem>>)
      tpu.yield
    }) : () -> ()
    "tpu.region"() ({
      %run_scoped3A = tpu.sem_alloc : memref<!tpu.dma_semaphore, #tpu.memory_space<semaphore_mem>>
      %dma_start3A_283 = arith.constant 0 : i32
      %dma_start3A_284 = tpu.memref_slice %arg13[%dma_start3A_283] : memref<6144xi32, #tpu.memory_space<vmem_shared>> -> memref<6144xi32, #tpu.memory_space<vmem_shared>>
      tpu.enqueue_indirect_dma source(%arg8 : memref<128xi32, #tpu.memory_space<vmem>>) target(%dma_start3A_284 : memref<6144xi32, #tpu.memory_space<vmem_shared>>) offsets(%arg7 : memref<128xi32, #tpu.memory_space<vmem>>) semaphore(%run_scoped3A : memref<!tpu.dma_semaphore, #tpu.memory_space<semaphore_mem>>)
      %dma_wait3A_285 = arith.constant 0 : i32
      %dma_wait3A_286 = tpu.memref_slice %arg13[%dma_wait3A_285] : memref<6144xi32, #tpu.memory_space<vmem_shared>> -> memref<6144xi32, #tpu.memory_space<vmem_shared>>
      tpu.wait_indirect_dma semaphore(%run_scoped3A : memref<!tpu.dma_semaphore, #tpu.memory_space<semaphore_mem>>) src(%arg8 : memref<128xi32, #tpu.memory_space<vmem>>) dst(%dma_wait3A_286 : memref<6144xi32, #tpu.memory_space<vmem_shared>>)
      tpu.yield
    }) : () -> ()
    "tpu.region"() ({
      %run_scoped3A = tpu.sem_alloc : memref<!tpu.dma_semaphore, #tpu.memory_space<semaphore_mem>>
      %dma_start3A_283 = arith.constant 0 : i32
      %dma_start3A_284 = tpu.memref_slice %arg14[%dma_start3A_283] : memref<6144xf32, #tpu.memory_space<vmem_shared>> -> memref<6144xf32, #tpu.memory_space<vmem_shared>>
      tpu.enqueue_indirect_dma source(%arg9 : memref<128xf32, #tpu.memory_space<vmem>>) target(%dma_start3A_284 : memref<6144xf32, #tpu.memory_space<vmem_shared>>) offsets(%arg7 : memref<128xi32, #tpu.memory_space<vmem>>) semaphore(%run_scoped3A : memref<!tpu.dma_semaphore, #tpu.memory_space<semaphore_mem>>)
      %dma_wait3A_285 = arith.constant 0 : i32
      %dma_wait3A_286 = tpu.memref_slice %arg14[%dma_wait3A_285] : memref<6144xf32, #tpu.memory_space<vmem_shared>> -> memref<6144xf32, #tpu.memory_space<vmem_shared>>
      tpu.wait_indirect_dma semaphore(%run_scoped3A : memref<!tpu.dma_semaphore, #tpu.memory_space<semaphore_mem>>) src(%arg9 : memref<128xf32, #tpu.memory_space<vmem>>) dst(%dma_wait3A_286 : memref<6144xf32, #tpu.memory_space<vmem_shared>>)
      tpu.yield
    }) : () -> ()
    %mul3A_91 = arith.constant 128 : i32
    %mul3A_92 = arith.muli %arg1, %mul3A_91 : i32
    %add3A_93 = arith.constant 2048 : i32
    %add3A_94 = arith.addi %add3A_93, %mul3A_92 : i32
    "tpu.region"() ({
      %run_scoped3A = tpu.sem_alloc : memref<!tpu.dma_semaphore, #tpu.memory_space<semaphore_mem>>
      %dma_start3A_283 = tpu.memref_slice %arg2[%add3A_94] : memref<4096xi32, #tpu.memory_space<hbm>> -> memref<128xi32, #tpu.memory_space<hbm>>
      %dma_start3A_284 = tpu.memref_slice %arg2[%add3A_94] : memref<4096xi32, #tpu.memory_space<hbm>> -> memref<128xi32, #tpu.memory_space<hbm>>
      tpu.enqueue_dma source(%dma_start3A_284 : memref<128xi32, #tpu.memory_space<hbm>>) target(%arg7 : memref<128xi32, #tpu.memory_space<vmem>>) target_semaphore(%run_scoped3A : memref<!tpu.dma_semaphore, #tpu.memory_space<semaphore_mem>>)
      %dma_wait3A_285 = tpu.memref_slice %arg2[%add3A_94] : memref<4096xi32, #tpu.memory_space<hbm>> -> memref<128xi32, #tpu.memory_space<hbm>>
      %dma_wait3A_286 = tpu.memref_slice %arg2[%add3A_94] : memref<4096xi32, #tpu.memory_space<hbm>> -> memref<128xi32, #tpu.memory_space<hbm>>
      tpu.wait_dma2 semaphore(%run_scoped3A : memref<!tpu.dma_semaphore, #tpu.memory_space<semaphore_mem>>) src(%dma_wait3A_286 : memref<128xi32, #tpu.memory_space<hbm>>) dst(%arg7 : memref<128xi32, #tpu.memory_space<vmem>>)
      tpu.yield
    }) : () -> ()
    "tpu.region"() ({
      %run_scoped3A = tpu.sem_alloc : memref<!tpu.dma_semaphore, #tpu.memory_space<semaphore_mem>>
      %dma_start3A_283 = tpu.memref_slice %arg3[%add3A_94] : memref<4096xf32, #tpu.memory_space<hbm>> -> memref<128xf32, #tpu.memory_space<hbm>>
      %dma_start3A_284 = tpu.memref_slice %arg3[%add3A_94] : memref<4096xf32, #tpu.memory_space<hbm>> -> memref<128xf32, #tpu.memory_space<hbm>>
      tpu.enqueue_dma source(%dma_start3A_284 : memref<128xf32, #tpu.memory_space<hbm>>) target(%arg9 : memref<128xf32, #tpu.memory_space<vmem>>) target_semaphore(%run_scoped3A : memref<!tpu.dma_semaphore, #tpu.memory_space<semaphore_mem>>)
      %dma_wait3A_285 = tpu.memref_slice %arg3[%add3A_94] : memref<4096xf32, #tpu.memory_space<hbm>> -> memref<128xf32, #tpu.memory_space<hbm>>
      %dma_wait3A_286 = tpu.memref_slice %arg3[%add3A_94] : memref<4096xf32, #tpu.memory_space<hbm>> -> memref<128xf32, #tpu.memory_space<hbm>>
      tpu.wait_dma2 semaphore(%run_scoped3A : memref<!tpu.dma_semaphore, #tpu.memory_space<semaphore_mem>>) src(%dma_wait3A_286 : memref<128xf32, #tpu.memory_space<hbm>>) dst(%arg9 : memref<128xf32, #tpu.memory_space<vmem>>)
      tpu.yield
    }) : () -> ()
    "tpu.region"() ({
      %run_scoped3A = tpu.sem_alloc : memref<!tpu.dma_semaphore, #tpu.memory_space<semaphore_mem>>
      %dma_start3A_283 = arith.constant 0 : i32
      %dma_start3A_284 = tpu.memref_slice %arg13[%dma_start3A_283] : memref<6144xi32, #tpu.memory_space<vmem_shared>> -> memref<6144xi32, #tpu.memory_space<vmem_shared>>
      tpu.enqueue_indirect_dma source(%arg8 : memref<128xi32, #tpu.memory_space<vmem>>) target(%dma_start3A_284 : memref<6144xi32, #tpu.memory_space<vmem_shared>>) offsets(%arg7 : memref<128xi32, #tpu.memory_space<vmem>>) semaphore(%run_scoped3A : memref<!tpu.dma_semaphore, #tpu.memory_space<semaphore_mem>>)
      %dma_wait3A_285 = arith.constant 0 : i32
      %dma_wait3A_286 = tpu.memref_slice %arg13[%dma_wait3A_285] : memref<6144xi32, #tpu.memory_space<vmem_shared>> -> memref<6144xi32, #tpu.memory_space<vmem_shared>>
      tpu.wait_indirect_dma semaphore(%run_scoped3A : memref<!tpu.dma_semaphore, #tpu.memory_space<semaphore_mem>>) src(%arg8 : memref<128xi32, #tpu.memory_space<vmem>>) dst(%dma_wait3A_286 : memref<6144xi32, #tpu.memory_space<vmem_shared>>)
      tpu.yield
    }) : () -> ()
    "tpu.region"() ({
      %run_scoped3A = tpu.sem_alloc : memref<!tpu.dma_semaphore, #tpu.memory_space<semaphore_mem>>
      %dma_start3A_283 = arith.constant 0 : i32
      %dma_start3A_284 = tpu.memref_slice %arg14[%dma_start3A_283] : memref<6144xf32, #tpu.memory_space<vmem_shared>> -> memref<6144xf32, #tpu.memory_space<vmem_shared>>
      tpu.enqueue_indirect_dma source(%arg9 : memref<128xf32, #tpu.memory_space<vmem>>) target(%dma_start3A_284 : memref<6144xf32, #tpu.memory_space<vmem_shared>>) offsets(%arg7 : memref<128xi32, #tpu.memory_space<vmem>>) semaphore(%run_scoped3A : memref<!tpu.dma_semaphore, #tpu.memory_space<semaphore_mem>>)
      %dma_wait3A_285 = arith.constant 0 : i32
      %dma_wait3A_286 = tpu.memref_slice %arg14[%dma_wait3A_285] : memref<6144xf32, #tpu.memory_space<vmem_shared>> -> memref<6144xf32, #tpu.memory_space<vmem_shared>>
      tpu.wait_indirect_dma semaphore(%run_scoped3A : memref<!tpu.dma_semaphore, #tpu.memory_space<semaphore_mem>>) src(%arg9 : memref<128xf32, #tpu.memory_space<vmem>>) dst(%dma_wait3A_286 : memref<6144xf32, #tpu.memory_space<vmem_shared>>)
      tpu.yield
    }) : () -> ()
    %barrier3A = arith.constant 0 : index
    tpu.barrier barrier_id(%barrier3A)
    %mul3A_95 = arith.constant 192 : i32
    %mul3A_96 = arith.muli %add3A, %mul3A_95 : i32
    "tpu.region"() ({
      %run_scoped3A = tpu.sem_alloc : memref<!tpu.dma_semaphore, #tpu.memory_space<semaphore_mem>>
      %dma_start3A_283 = tpu.memref_slice %arg13[%mul3A_96] : memref<6144xi32, #tpu.memory_space<vmem_shared>> -> memref<192xi32, #tpu.memory_space<vmem_shared>>
      %dma_start3A_284 = tpu.memref_slice %arg13[%mul3A_96] : memref<6144xi32, #tpu.memory_space<vmem_shared>> -> memref<192xi32, #tpu.memory_space<vmem_shared>>
      tpu.enqueue_dma source(%dma_start3A_284 : memref<192xi32, #tpu.memory_space<vmem_shared>>) target(%arg10 : memref<192xi32, #tpu.memory_space<vmem>>) target_semaphore(%run_scoped3A : memref<!tpu.dma_semaphore, #tpu.memory_space<semaphore_mem>>)
      %dma_wait3A_285 = tpu.memref_slice %arg13[%mul3A_96] : memref<6144xi32, #tpu.memory_space<vmem_shared>> -> memref<192xi32, #tpu.memory_space<vmem_shared>>
      %dma_wait3A_286 = tpu.memref_slice %arg13[%mul3A_96] : memref<6144xi32, #tpu.memory_space<vmem_shared>> -> memref<192xi32, #tpu.memory_space<vmem_shared>>
      tpu.wait_dma2 semaphore(%run_scoped3A : memref<!tpu.dma_semaphore, #tpu.memory_space<semaphore_mem>>) src(%dma_wait3A_286 : memref<192xi32, #tpu.memory_space<vmem_shared>>) dst(%arg10 : memref<192xi32, #tpu.memory_space<vmem>>)
      tpu.yield
    }) : () -> ()
    "tpu.region"() ({
      %run_scoped3A = tpu.sem_alloc : memref<!tpu.dma_semaphore, #tpu.memory_space<semaphore_mem>>
      %dma_start3A_283 = tpu.memref_slice %arg14[%mul3A_96] : memref<6144xf32, #tpu.memory_space<vmem_shared>> -> memref<192xf32, #tpu.memory_space<vmem_shared>>
      %dma_start3A_284 = tpu.memref_slice %arg14[%mul3A_96] : memref<6144xf32, #tpu.memory_space<vmem_shared>> -> memref<192xf32, #tpu.memory_space<vmem_shared>>
      tpu.enqueue_dma source(%dma_start3A_284 : memref<192xf32, #tpu.memory_space<vmem_shared>>) target(%arg11 : memref<192xf32, #tpu.memory_space<vmem>>) target_semaphore(%run_scoped3A : memref<!tpu.dma_semaphore, #tpu.memory_space<semaphore_mem>>)
      %dma_wait3A_285 = tpu.memref_slice %arg14[%mul3A_96] : memref<6144xf32, #tpu.memory_space<vmem_shared>> -> memref<192xf32, #tpu.memory_space<vmem_shared>>
      %dma_wait3A_286 = tpu.memref_slice %arg14[%mul3A_96] : memref<6144xf32, #tpu.memory_space<vmem_shared>> -> memref<192xf32, #tpu.memory_space<vmem_shared>>
      tpu.wait_dma2 semaphore(%run_scoped3A : memref<!tpu.dma_semaphore, #tpu.memory_space<semaphore_mem>>) src(%dma_wait3A_286 : memref<192xf32, #tpu.memory_space<vmem_shared>>) dst(%arg11 : memref<192xf32, #tpu.memory_space<vmem>>)
      tpu.yield
    }) : () -> ()
    "tpu.region"() ({
      %run_scoped3A = tpu.sem_alloc : memref<!tpu.dma_semaphore, #tpu.memory_space<semaphore_mem>>
      %dma_start3A_283 = tpu.memref_slice %arg6[%mul3A_96] : memref<6144xf32, #tpu.memory_space<hbm>> -> memref<192xf32, #tpu.memory_space<hbm>>
      %dma_start3A_284 = tpu.memref_slice %arg6[%mul3A_96] : memref<6144xf32, #tpu.memory_space<hbm>> -> memref<192xf32, #tpu.memory_space<hbm>>
      tpu.enqueue_dma source(%arg11 : memref<192xf32, #tpu.memory_space<vmem>>) target(%dma_start3A_284 : memref<192xf32, #tpu.memory_space<hbm>>) target_semaphore(%run_scoped3A : memref<!tpu.dma_semaphore, #tpu.memory_space<semaphore_mem>>)
      %dma_wait3A_285 = tpu.memref_slice %arg6[%mul3A_96] : memref<6144xf32, #tpu.memory_space<hbm>> -> memref<192xf32, #tpu.memory_space<hbm>>
      %dma_wait3A_286 = tpu.memref_slice %arg6[%mul3A_96] : memref<6144xf32, #tpu.memory_space<hbm>> -> memref<192xf32, #tpu.memory_space<hbm>>
      tpu.wait_dma2 semaphore(%run_scoped3A : memref<!tpu.dma_semaphore, #tpu.memory_space<semaphore_mem>>) src(%arg11 : memref<192xf32, #tpu.memory_space<vmem>>) dst(%dma_wait3A_286 : memref<192xf32, #tpu.memory_space<hbm>>)
      tpu.yield
    }) : () -> ()
    %get3A = arith.constant 0 : index
    %get3A_97 = tpu.vector_load %arg10[%get3A] {strides = array<i32>} : memref<192xi32, #tpu.memory_space<vmem>>, vector<16xi32>,
    %get3A_98 = vector.shape_cast %get3A_97 : vector<16xi32> to vector<16xi32>
    %jit3A = arith.constant 0 : i32
    %jit3A_99 = arith.constant 2047 : i32
    %max3A = vector.broadcast %jit3A : i32 to vector<16xi32>
    %max3A_100 = arith.maxsi %max3A, %get3A_98 : vector<16xi32>
    %min3A = vector.broadcast %jit3A_99 : i32 to vector<16xi32>
    %min3A_101 = arith.minsi %min3A, %max3A_100 : vector<16xi32>
    %swap3A_102 = arith.constant 0 : index
    %swap3A_103 = tpu.vector_load %arg10[%swap3A_102] {strides = array<i32>} : memref<192xi32, #tpu.memory_space<vmem>>, vector<16xi32>,
    %swap3A_104 = vector.shape_cast %swap3A_103 : vector<16xi32> to vector<16xi32>
    %swap3A_105 = vector.shape_cast %min3A_101 : vector<16xi32> to vector<16xi32>
    tpu.vector_store %arg10[%swap3A_102], %swap3A_105 {strides = array<i32>} : memref<192xi32, #tpu.memory_space<vmem>>, vector<16xi32>,
    %get3A_106 = arith.constant 16 : index
    %get3A_107 = tpu.vector_load %arg10[%get3A_106] {strides = array<i32>} : memref<192xi32, #tpu.memory_space<vmem>>, vector<16xi32>,
    %get3A_108 = vector.shape_cast %get3A_107 : vector<16xi32> to vector<16xi32>
    %jit3A_109 = arith.constant 0 : i32
    %jit3A_110 = arith.constant 2047 : i32
    %max3A_111 = vector.broadcast %jit3A_109 : i32 to vector<16xi32>
    %max3A_112 = arith.maxsi %max3A_111, %get3A_108 : vector<16xi32>
    %min3A_113 = vector.broadcast %jit3A_110 : i32 to vector<16xi32>
    %min3A_114 = arith.minsi %min3A_113, %max3A_112 : vector<16xi32>
    %swap3A_115 = arith.constant 16 : index
    %swap3A_116 = tpu.vector_load %arg10[%swap3A_115] {strides = array<i32>} : memref<192xi32, #tpu.memory_space<vmem>>, vector<16xi32>,
    %swap3A_117 = vector.shape_cast %swap3A_116 : vector<16xi32> to vector<16xi32>
    %swap3A_118 = vector.shape_cast %min3A_114 : vector<16xi32> to vector<16xi32>
    tpu.vector_store %arg10[%swap3A_115], %swap3A_118 {strides = array<i32>} : memref<192xi32, #tpu.memory_space<vmem>>, vector<16xi32>,
    %get3A_119 = arith.constant 32 : index
    %get3A_120 = tpu.vector_load %arg10[%get3A_119] {strides = array<i32>} : memref<192xi32, #tpu.memory_space<vmem>>, vector<16xi32>,
    %get3A_121 = vector.shape_cast %get3A_120 : vector<16xi32> to vector<16xi32>
    %jit3A_122 = arith.constant 0 : i32
    %jit3A_123 = arith.constant 2047 : i32
    %max3A_124 = vector.broadcast %jit3A_122 : i32 to vector<16xi32>
    %max3A_125 = arith.maxsi %max3A_124, %get3A_121 : vector<16xi32>
    %min3A_126 = vector.broadcast %jit3A_123 : i32 to vector<16xi32>
    %min3A_127 = arith.minsi %min3A_126, %max3A_125 : vector<16xi32>
    %swap3A_128 = arith.constant 32 : index
    %swap3A_129 = tpu.vector_load %arg10[%swap3A_128] {strides = array<i32>} : memref<192xi32, #tpu.memory_space<vmem>>, vector<16xi32>,
    %swap3A_130 = vector.shape_cast %swap3A_129 : vector<16xi32> to vector<16xi32>
    %swap3A_131 = vector.shape_cast %min3A_127 : vector<16xi32> to vector<16xi32>
    tpu.vector_store %arg10[%swap3A_128], %swap3A_131 {strides = array<i32>} : memref<192xi32, #tpu.memory_space<vmem>>, vector<16xi32>,
    %get3A_132 = arith.constant 48 : index
    %get3A_133 = tpu.vector_load %arg10[%get3A_132] {strides = array<i32>} : memref<192xi32, #tpu.memory_space<vmem>>, vector<16xi32>,
    %get3A_134 = vector.shape_cast %get3A_133 : vector<16xi32> to vector<16xi32>
    %jit3A_135 = arith.constant 0 : i32
    %jit3A_136 = arith.constant 2047 : i32
    %max3A_137 = vector.broadcast %jit3A_135 : i32 to vector<16xi32>
    %max3A_138 = arith.maxsi %max3A_137, %get3A_134 : vector<16xi32>
    %min3A_139 = vector.broadcast %jit3A_136 : i32 to vector<16xi32>
    %min3A_140 = arith.minsi %min3A_139, %max3A_138 : vector<16xi32>
    %swap3A_141 = arith.constant 48 : index
    %swap3A_142 = tpu.vector_load %arg10[%swap3A_141] {strides = array<i32>} : memref<192xi32, #tpu.memory_space<vmem>>, vector<16xi32>,
    %swap3A_143 = vector.shape_cast %swap3A_142 : vector<16xi32> to vector<16xi32>
    %swap3A_144 = vector.shape_cast %min3A_140 : vector<16xi32> to vector<16xi32>
    tpu.vector_store %arg10[%swap3A_141], %swap3A_144 {strides = array<i32>} : memref<192xi32, #tpu.memory_space<vmem>>, vector<16xi32>,
    %get3A_145 = arith.constant 64 : index
    %get3A_146 = tpu.vector_load %arg10[%get3A_145] {strides = array<i32>} : memref<192xi32, #tpu.memory_space<vmem>>, vector<16xi32>,
    %get3A_147 = vector.shape_cast %get3A_146 : vector<16xi32> to vector<16xi32>
    %jit3A_148 = arith.constant 0 : i32
    %jit3A_149 = arith.constant 2047 : i32
    %max3A_150 = vector.broadcast %jit3A_148 : i32 to vector<16xi32>
    %max3A_151 = arith.maxsi %max3A_150, %get3A_147 : vector<16xi32>
    %min3A_152 = vector.broadcast %jit3A_149 : i32 to vector<16xi32>
    %min3A_153 = arith.minsi %min3A_152, %max3A_151 : vector<16xi32>
    %swap3A_154 = arith.constant 64 : index
    %swap3A_155 = tpu.vector_load %arg10[%swap3A_154] {strides = array<i32>} : memref<192xi32, #tpu.memory_space<vmem>>, vector<16xi32>,
    %swap3A_156 = vector.shape_cast %swap3A_155 : vector<16xi32> to vector<16xi32>
    %swap3A_157 = vector.shape_cast %min3A_153 : vector<16xi32> to vector<16xi32>
    tpu.vector_store %arg10[%swap3A_154], %swap3A_157 {strides = array<i32>} : memref<192xi32, #tpu.memory_space<vmem>>, vector<16xi32>,
    %get3A_158 = arith.constant 80 : index
    %get3A_159 = tpu.vector_load %arg10[%get3A_158] {strides = array<i32>} : memref<192xi32, #tpu.memory_space<vmem>>, vector<16xi32>,
    %get3A_160 = vector.shape_cast %get3A_159 : vector<16xi32> to vector<16xi32>
    %jit3A_161 = arith.constant 0 : i32
    %jit3A_162 = arith.constant 2047 : i32
    %max3A_163 = vector.broadcast %jit3A_161 : i32 to vector<16xi32>
    %max3A_164 = arith.maxsi %max3A_163, %get3A_160 : vector<16xi32>
    %min3A_165 = vector.broadcast %jit3A_162 : i32 to vector<16xi32>
    %min3A_166 = arith.minsi %min3A_165, %max3A_164 : vector<16xi32>
    %swap3A_167 = arith.constant 80 : index
    %swap3A_168 = tpu.vector_load %arg10[%swap3A_167] {strides = array<i32>} : memref<192xi32, #tpu.memory_space<vmem>>, vector<16xi32>,
    %swap3A_169 = vector.shape_cast %swap3A_168 : vector<16xi32> to vector<16xi32>
    %swap3A_170 = vector.shape_cast %min3A_166 : vector<16xi32> to vector<16xi32>
    tpu.vector_store %arg10[%swap3A_167], %swap3A_170 {strides = array<i32>} : memref<192xi32, #tpu.memory_space<vmem>>, vector<16xi32>,
    %get3A_171 = arith.constant 96 : index
    %get3A_172 = tpu.vector_load %arg10[%get3A_171] {strides = array<i32>} : memref<192xi32, #tpu.memory_space<vmem>>, vector<16xi32>,
    %get3A_173 = vector.shape_cast %get3A_172 : vector<16xi32> to vector<16xi32>
    %jit3A_174 = arith.constant 0 : i32
    %jit3A_175 = arith.constant 2047 : i32
    %max3A_176 = vector.broadcast %jit3A_174 : i32 to vector<16xi32>
    %max3A_177 = arith.maxsi %max3A_176, %get3A_173 : vector<16xi32>
    %min3A_178 = vector.broadcast %jit3A_175 : i32 to vector<16xi32>
    %min3A_179 = arith.minsi %min3A_178, %max3A_177 : vector<16xi32>
    %swap3A_180 = arith.constant 96 : index
    %swap3A_181 = tpu.vector_load %arg10[%swap3A_180] {strides = array<i32>} : memref<192xi32, #tpu.memory_space<vmem>>, vector<16xi32>,
    %swap3A_182 = vector.shape_cast %swap3A_181 : vector<16xi32> to vector<16xi32>
    %swap3A_183 = vector.shape_cast %min3A_179 : vector<16xi32> to vector<16xi32>
    tpu.vector_store %arg10[%swap3A_180], %swap3A_183 {strides = array<i32>} : memref<192xi32, #tpu.memory_space<vmem>>, vector<16xi32>,
    %get3A_184 = arith.constant 112 : index
    %get3A_185 = tpu.vector_load %arg10[%get3A_184] {strides = array<i32>} : memref<192xi32, #tpu.memory_space<vmem>>, vector<16xi32>,
    %get3A_186 = vector.shape_cast %get3A_185 : vector<16xi32> to vector<16xi32>
    %jit3A_187 = arith.constant 0 : i32
    %jit3A_188 = arith.constant 2047 : i32
    %max3A_189 = vector.broadcast %jit3A_187 : i32 to vector<16xi32>
    %max3A_190 = arith.maxsi %max3A_189, %get3A_186 : vector<16xi32>
    %min3A_191 = vector.broadcast %jit3A_188 : i32 to vector<16xi32>
    %min3A_192 = arith.minsi %min3A_191, %max3A_190 : vector<16xi32>
    %swap3A_193 = arith.constant 112 : index
    %swap3A_194 = tpu.vector_load %arg10[%swap3A_193] {strides = array<i32>} : memref<192xi32, #tpu.memory_space<vmem>>, vector<16xi32>,
    %swap3A_195 = vector.shape_cast %swap3A_194 : vector<16xi32> to vector<16xi32>
    %swap3A_196 = vector.shape_cast %min3A_192 : vector<16xi32> to vector<16xi32>
    tpu.vector_store %arg10[%swap3A_193], %swap3A_196 {strides = array<i32>} : memref<192xi32, #tpu.memory_space<vmem>>, vector<16xi32>,
    %get3A_197 = arith.constant 128 : index
    %get3A_198 = tpu.vector_load %arg10[%get3A_197] {strides = array<i32>} : memref<192xi32, #tpu.memory_space<vmem>>, vector<16xi32>,
    %get3A_199 = vector.shape_cast %get3A_198 : vector<16xi32> to vector<16xi32>
    %jit3A_200 = arith.constant 0 : i32
    %jit3A_201 = arith.constant 2047 : i32
    %max3A_202 = vector.broadcast %jit3A_200 : i32 to vector<16xi32>
    %max3A_203 = arith.maxsi %max3A_202, %get3A_199 : vector<16xi32>
    %min3A_204 = vector.broadcast %jit3A_201 : i32 to vector<16xi32>
    %min3A_205 = arith.minsi %min3A_204, %max3A_203 : vector<16xi32>
    %swap3A_206 = arith.constant 128 : index
    %swap3A_207 = tpu.vector_load %arg10[%swap3A_206] {strides = array<i32>} : memref<192xi32, #tpu.memory_space<vmem>>, vector<16xi32>,
    %swap3A_208 = vector.shape_cast %swap3A_207 : vector<16xi32> to vector<16xi32>
    %swap3A_209 = vector.shape_cast %min3A_205 : vector<16xi32> to vector<16xi32>
    tpu.vector_store %arg10[%swap3A_206], %swap3A_209 {strides = array<i32>} : memref<192xi32, #tpu.memory_space<vmem>>, vector<16xi32>,
    %get3A_210 = arith.constant 144 : index
    %get3A_211 = tpu.vector_load %arg10[%get3A_210] {strides = array<i32>} : memref<192xi32, #tpu.memory_space<vmem>>, vector<16xi32>,
    %get3A_212 = vector.shape_cast %get3A_211 : vector<16xi32> to vector<16xi32>
    %jit3A_213 = arith.constant 0 : i32
    %jit3A_214 = arith.constant 2047 : i32
    %max3A_215 = vector.broadcast %jit3A_213 : i32 to vector<16xi32>
    %max3A_216 = arith.maxsi %max3A_215, %get3A_212 : vector<16xi32>
    %min3A_217 = vector.broadcast %jit3A_214 : i32 to vector<16xi32>
    %min3A_218 = arith.minsi %min3A_217, %max3A_216 : vector<16xi32>
    %swap3A_219 = arith.constant 144 : index
    %swap3A_220 = tpu.vector_load %arg10[%swap3A_219] {strides = array<i32>} : memref<192xi32, #tpu.memory_space<vmem>>, vector<16xi32>,
    %swap3A_221 = vector.shape_cast %swap3A_220 : vector<16xi32> to vector<16xi32>
    %swap3A_222 = vector.shape_cast %min3A_218 : vector<16xi32> to vector<16xi32>
    tpu.vector_store %arg10[%swap3A_219], %swap3A_222 {strides = array<i32>} : memref<192xi32, #tpu.memory_space<vmem>>, vector<16xi32>,
    %get3A_223 = arith.constant 160 : index
    %get3A_224 = tpu.vector_load %arg10[%get3A_223] {strides = array<i32>} : memref<192xi32, #tpu.memory_space<vmem>>, vector<16xi32>,
    %get3A_225 = vector.shape_cast %get3A_224 : vector<16xi32> to vector<16xi32>
    %jit3A_226 = arith.constant 0 : i32
    %jit3A_227 = arith.constant 2047 : i32
    %max3A_228 = vector.broadcast %jit3A_226 : i32 to vector<16xi32>
    %max3A_229 = arith.maxsi %max3A_228, %get3A_225 : vector<16xi32>
    %min3A_230 = vector.broadcast %jit3A_227 : i32 to vector<16xi32>
    %min3A_231 = arith.minsi %min3A_230, %max3A_229 : vector<16xi32>
    %swap3A_232 = arith.constant 160 : index
    %swap3A_233 = tpu.vector_load %arg10[%swap3A_232] {strides = array<i32>} : memref<192xi32, #tpu.memory_space<vmem>>, vector<16xi32>,
    %swap3A_234 = vector.shape_cast %swap3A_233 : vector<16xi32> to vector<16xi32>
    %swap3A_235 = vector.shape_cast %min3A_231 : vector<16xi32> to vector<16xi32>
    tpu.vector_store %arg10[%swap3A_232], %swap3A_235 {strides = array<i32>} : memref<192xi32, #tpu.memory_space<vmem>>, vector<16xi32>,
    %get3A_236 = arith.constant 176 : index
    %get3A_237 = tpu.vector_load %arg10[%get3A_236] {strides = array<i32>} : memref<192xi32, #tpu.memory_space<vmem>>, vector<16xi32>,
    %get3A_238 = vector.shape_cast %get3A_237 : vector<16xi32> to vector<16xi32>
    %jit3A_239 = arith.constant 0 : i32
    %jit3A_240 = arith.constant 2047 : i32
    %max3A_241 = vector.broadcast %jit3A_239 : i32 to vector<16xi32>
    %max3A_242 = arith.maxsi %max3A_241, %get3A_238 : vector<16xi32>
    %min3A_243 = vector.broadcast %jit3A_240 : i32 to vector<16xi32>
    %min3A_244 = arith.minsi %min3A_243, %max3A_242 : vector<16xi32>
    %swap3A_245 = arith.constant 176 : index
    %swap3A_246 = tpu.vector_load %arg10[%swap3A_245] {strides = array<i32>} : memref<192xi32, #tpu.memory_space<vmem>>, vector<16xi32>,
    %swap3A_247 = vector.shape_cast %swap3A_246 : vector<16xi32> to vector<16xi32>
    %swap3A_248 = vector.shape_cast %min3A_244 : vector<16xi32> to vector<16xi32>
    tpu.vector_store %arg10[%swap3A_245], %swap3A_248 {strides = array<i32>} : memref<192xi32, #tpu.memory_space<vmem>>, vector<16xi32>,
    %dma_start3A = arith.constant 0 : i32
    %dma_start3A_249 = tpu.memref_slice %arg10[%dma_start3A] : memref<192xi32, #tpu.memory_space<vmem>> -> memref<64xi32, #tpu.memory_space<vmem>>
    %dma_start3A_250 = arith.constant 0 : i32
    %dma_start3A_251 = arith.constant 0 : i32
    %dma_start3A_252 = tpu.memref_slice %arg4[%dma_start3A_250, %dma_start3A_251] : memref<2048x1024xf32, #tpu.memory_space<hbm>> -> memref<2048x1024xf32, #tpu.memory_space<hbm>>
    tpu.enqueue_indirect_dma source(%dma_start3A_252 : memref<2048x1024xf32, #tpu.memory_space<hbm>>) target(%arg12 : memref<64x1024xf32, #tpu.memory_space<vmem>>) offsets(%dma_start3A_249 : memref<64xi32, #tpu.memory_space<vmem>>) semaphore(%arg15 : memref<!tpu.dma_semaphore, #tpu.memory_space<semaphore_mem>>)
    %dma_wait3A = arith.constant 0 : i32
    %dma_wait3A_253 = tpu.memref_slice %arg10[%dma_wait3A] : memref<192xi32, #tpu.memory_space<vmem>> -> memref<64xi32, #tpu.memory_space<vmem>>
    %dma_wait3A_254 = arith.constant 0 : i32
    %dma_wait3A_255 = arith.constant 0 : i32
    %dma_wait3A_256 = tpu.memref_slice %arg4[%dma_wait3A_254, %dma_wait3A_255] : memref<2048x1024xf32, #tpu.memory_space<hbm>> -> memref<2048x1024xf32, #tpu.memory_space<hbm>>
    tpu.wait_indirect_dma semaphore(%arg15 : memref<!tpu.dma_semaphore, #tpu.memory_space<semaphore_mem>>) src(%dma_wait3A_256 : memref<2048x1024xf32, #tpu.memory_space<hbm>>) dst(%arg12 : memref<64x1024xf32, #tpu.memory_space<vmem>>)
    %add3A_257 = arith.constant 0 : i32
    %add3A_258 = arith.addi %mul3A_96, %add3A_257 : i32
    "tpu.region"() ({
      %run_scoped3A = tpu.sem_alloc : memref<!tpu.dma_semaphore, #tpu.memory_space<semaphore_mem>>
      %dma_start3A_283 = arith.constant 0 : i32
      %dma_start3A_284 = tpu.memref_slice %arg5[%add3A_258, %dma_start3A_283] : memref<6144x1024xf32, #tpu.memory_space<hbm>> -> memref<64x1024xf32, #tpu.memory_space<hbm>>
      %dma_start3A_285 = arith.constant 0 : i32
      %dma_start3A_286 = tpu.memref_slice %arg5[%add3A_258, %dma_start3A_285] : memref<6144x1024xf32, #tpu.memory_space<hbm>> -> memref<64x1024xf32, #tpu.memory_space<hbm>>
      tpu.enqueue_dma source(%arg12 : memref<64x1024xf32, #tpu.memory_space<vmem>>) target(%dma_start3A_286 : memref<64x1024xf32, #tpu.memory_space<hbm>>) target_semaphore(%run_scoped3A : memref<!tpu.dma_semaphore, #tpu.memory_space<semaphore_mem>>)
      %dma_wait3A_287 = arith.constant 0 : i32
      %dma_wait3A_288 = tpu.memref_slice %arg5[%add3A_258, %dma_wait3A_287] : memref<6144x1024xf32, #tpu.memory_space<hbm>> -> memref<64x1024xf32, #tpu.memory_space<hbm>>
      %dma_wait3A_289 = arith.constant 0 : i32
      %dma_wait3A_290 = tpu.memref_slice %arg5[%add3A_258, %dma_wait3A_289] : memref<6144x1024xf32, #tpu.memory_space<hbm>> -> memref<64x1024xf32, #tpu.memory_space<hbm>>
      tpu.wait_dma2 semaphore(%run_scoped3A : memref<!tpu.dma_semaphore, #tpu.memory_space<semaphore_mem>>) src(%arg12 : memref<64x1024xf32, #tpu.memory_space<vmem>>) dst(%dma_wait3A_290 : memref<64x1024xf32, #tpu.memory_space<hbm>>)
      tpu.yield
    }) : () -> ()
    %dma_start3A_259 = arith.constant 64 : i32
    %dma_start3A_260 = tpu.memref_slice %arg10[%dma_start3A_259] : memref<192xi32, #tpu.memory_space<vmem>> -> memref<64xi32, #tpu.memory_space<vmem>>
    %dma_start3A_261 = arith.constant 0 : i32
    %dma_start3A_262 = arith.constant 0 : i32
    %dma_start3A_263 = tpu.memref_slice %arg4[%dma_start3A_261, %dma_start3A_262] : memref<2048x1024xf32, #tpu.memory_space<hbm>> -> memref<2048x1024xf32, #tpu.memory_space<hbm>>
    tpu.enqueue_indirect_dma source(%dma_start3A_263 : memref<2048x1024xf32, #tpu.memory_space<hbm>>) target(%arg12 : memref<64x1024xf32, #tpu.memory_space<vmem>>) offsets(%dma_start3A_260 : memref<64xi32, #tpu.memory_space<vmem>>) semaphore(%arg15 : memref<!tpu.dma_semaphore, #tpu.memory_space<semaphore_mem>>)
    %dma_wait3A_264 = arith.constant 64 : i32
    %dma_wait3A_265 = tpu.memref_slice %arg10[%dma_wait3A_264] : memref<192xi32, #tpu.memory_space<vmem>> -> memref<64xi32, #tpu.memory_space<vmem>>
    %dma_wait3A_266 = arith.constant 0 : i32
    %dma_wait3A_267 = arith.constant 0 : i32
    %dma_wait3A_268 = tpu.memref_slice %arg4[%dma_wait3A_266, %dma_wait3A_267] : memref<2048x1024xf32, #tpu.memory_space<hbm>> -> memref<2048x1024xf32, #tpu.memory_space<hbm>>
    tpu.wait_indirect_dma semaphore(%arg15 : memref<!tpu.dma_semaphore, #tpu.memory_space<semaphore_mem>>) src(%dma_wait3A_268 : memref<2048x1024xf32, #tpu.memory_space<hbm>>) dst(%arg12 : memref<64x1024xf32, #tpu.memory_space<vmem>>)
    %add3A_269 = arith.constant 64 : i32
    %add3A_270 = arith.addi %mul3A_96, %add3A_269 : i32
    "tpu.region"() ({
      %run_scoped3A = tpu.sem_alloc : memref<!tpu.dma_semaphore, #tpu.memory_space<semaphore_mem>>
      %dma_start3A_283 = arith.constant 0 : i32
      %dma_start3A_284 = tpu.memref_slice %arg5[%add3A_270, %dma_start3A_283] : memref<6144x1024xf32, #tpu.memory_space<hbm>> -> memref<64x1024xf32, #tpu.memory_space<hbm>>
      %dma_start3A_285 = arith.constant 0 : i32
      %dma_start3A_286 = tpu.memref_slice %arg5[%add3A_270, %dma_start3A_285] : memref<6144x1024xf32, #tpu.memory_space<hbm>> -> memref<64x1024xf32, #tpu.memory_space<hbm>>
      tpu.enqueue_dma source(%arg12 : memref<64x1024xf32, #tpu.memory_space<vmem>>) target(%dma_start3A_286 : memref<64x1024xf32, #tpu.memory_space<hbm>>) target_semaphore(%run_scoped3A : memref<!tpu.dma_semaphore, #tpu.memory_space<semaphore_mem>>)
      %dma_wait3A_287 = arith.constant 0 : i32
      %dma_wait3A_288 = tpu.memref_slice %arg5[%add3A_270, %dma_wait3A_287] : memref<6144x1024xf32, #tpu.memory_space<hbm>> -> memref<64x1024xf32, #tpu.memory_space<hbm>>
      %dma_wait3A_289 = arith.constant 0 : i32
      %dma_wait3A_290 = tpu.memref_slice %arg5[%add3A_270, %dma_wait3A_289] : memref<6144x1024xf32, #tpu.memory_space<hbm>> -> memref<64x1024xf32, #tpu.memory_space<hbm>>
      tpu.wait_dma2 semaphore(%run_scoped3A : memref<!tpu.dma_semaphore, #tpu.memory_space<semaphore_mem>>) src(%arg12 : memref<64x1024xf32, #tpu.memory_space<vmem>>) dst(%dma_wait3A_290 : memref<64x1024xf32, #tpu.memory_space<hbm>>)
      tpu.yield
    }) : () -> ()
    %dma_start3A_271 = arith.constant 128 : i32
    %dma_start3A_272 = tpu.memref_slice %arg10[%dma_start3A_271] : memref<192xi32, #tpu.memory_space<vmem>> -> memref<64xi32, #tpu.memory_space<vmem>>
    %dma_start3A_273 = arith.constant 0 : i32
    %dma_start3A_274 = arith.constant 0 : i32
    %dma_start3A_275 = tpu.memref_slice %arg4[%dma_start3A_273, %dma_start3A_274] : memref<2048x1024xf32, #tpu.memory_space<hbm>> -> memref<2048x1024xf32, #tpu.memory_space<hbm>>
    tpu.enqueue_indirect_dma source(%dma_start3A_275 : memref<2048x1024xf32, #tpu.memory_space<hbm>>) target(%arg12 : memref<64x1024xf32, #tpu.memory_space<vmem>>) offsets(%dma_start3A_272 : memref<64xi32, #tpu.memory_space<vmem>>) semaphore(%arg15 : memref<!tpu.dma_semaphore, #tpu.memory_space<semaphore_mem>>)
    %dma_wait3A_276 = arith.constant 128 : i32
    %dma_wait3A_277 = tpu.memref_slice %arg10[%dma_wait3A_276] : memref<192xi32, #tpu.memory_space<vmem>> -> memref<64xi32, #tpu.memory_space<vmem>>
    %dma_wait3A_278 = arith.constant 0 : i32
    %dma_wait3A_279 = arith.constant 0 : i32
    %dma_wait3A_280 = tpu.memref_slice %arg4[%dma_wait3A_278, %dma_wait3A_279] : memref<2048x1024xf32, #tpu.memory_space<hbm>> -> memref<2048x1024xf32, #tpu.memory_space<hbm>>
    tpu.wait_indirect_dma semaphore(%arg15 : memref<!tpu.dma_semaphore, #tpu.memory_space<semaphore_mem>>) src(%dma_wait3A_280 : memref<2048x1024xf32, #tpu.memory_space<hbm>>) dst(%arg12 : memref<64x1024xf32, #tpu.memory_space<vmem>>)
    %add3A_281 = arith.constant 128 : i32
    %add3A_282 = arith.addi %mul3A_96, %add3A_281 : i32
    "tpu.region"() ({
      %run_scoped3A = tpu.sem_alloc : memref<!tpu.dma_semaphore, #tpu.memory_space<semaphore_mem>>
      %dma_start3A_283 = arith.constant 0 : i32
      %dma_start3A_284 = tpu.memref_slice %arg5[%add3A_282, %dma_start3A_283] : memref<6144x1024xf32, #tpu.memory_space<hbm>> -> memref<64x1024xf32, #tpu.memory_space<hbm>>
      %dma_start3A_285 = arith.constant 0 : i32
      %dma_start3A_286 = tpu.memref_slice %arg5[%add3A_282, %dma_start3A_285] : memref<6144x1024xf32, #tpu.memory_space<hbm>> -> memref<64x1024xf32, #tpu.memory_space<hbm>>
      tpu.enqueue_dma source(%arg12 : memref<64x1024xf32, #tpu.memory_space<vmem>>) target(%dma_start3A_286 : memref<64x1024xf32, #tpu.memory_space<hbm>>) target_semaphore(%run_scoped3A : memref<!tpu.dma_semaphore, #tpu.memory_space<semaphore_mem>>)
      %dma_wait3A_287 = arith.constant 0 : i32
      %dma_wait3A_288 = tpu.memref_slice %arg5[%add3A_282, %dma_wait3A_287] : memref<6144x1024xf32, #tpu.memory_space<hbm>> -> memref<64x1024xf32, #tpu.memory_space<hbm>>
      %dma_wait3A_289 = arith.constant 0 : i32
      %dma_wait3A_290 = tpu.memref_slice %arg5[%add3A_282, %dma_wait3A_289] : memref<6144x1024xf32, #tpu.memory_space<hbm>> -> memref<64x1024xf32, #tpu.memory_space<hbm>>
      tpu.wait_dma2 semaphore(%run_scoped3A : memref<!tpu.dma_semaphore, #tpu.memory_space<semaphore_mem>>) src(%arg12 : memref<64x1024xf32, #tpu.memory_space<vmem>>) dst(%dma_wait3A_290 : memref<64x1024xf32, #tpu.memory_space<hbm>>)
      tpu.yield
    }) : () -> ()
    return
  }
}

#map = affine_map<(d0, d1) -> (0)>
#map1 = affine_map<(d0, d1) -> (0, 0)>
module attributes {stable_mosaic.version = 14 : i64} {
  func.func @kc(%arg0: i32, %arg1: i32, %arg2: memref<2048xi32, #tpu.memory_space<hbm>>, %arg3: memref<2048xi32, #tpu.memory_space<hbm>>, %arg4: memref<6144x1024xf32, #tpu.memory_space<hbm>>, %arg5: memref<2048x1024xf32, #tpu.memory_space<hbm>>, %arg6: memref<2048x1024xf32, #tpu.memory_space<hbm>>, %arg7: memref<64xi32, #tpu.memory_space<vmem>>, %arg8: memref<64xi32, #tpu.memory_space<vmem>>, %arg9: memref<32x1024xf32, #tpu.memory_space<vmem>>, %arg10: memref<32x1024xf32, #tpu.memory_space<vmem>>, %arg11: memref<!tpu.dma_semaphore, #tpu.memory_space<semaphore_mem>>, %arg12: memref<!tpu.dma_semaphore, #tpu.memory_space<semaphore_mem>>) attributes {dimension_semantics = [#tpu.dimension_semantics<core_parallel>, #tpu.dimension_semantics<subcore_parallel>], iteration_bounds = array<i64: 2, 16>, scalar_prefetch = 0 : i64, scratch_operands = 6 : i64, tpu.core_type = #tpu.core_type<sc_vector_subcore>, window_params = [{transform_indices = #map}, {transform_indices = #map}, {transform_indices = #map1}, {transform_indices = #map1}, {transform_indices = #map1}]} {
    %mul3A = arith.constant 2 : i32
    %mul3A_0 = arith.muli %arg1, %mul3A : i32
    %add3A = arith.addi %mul3A_0, %arg0 : i32
    %mul3A_1 = arith.constant 64 : i32
    %mul3A_2 = arith.muli %add3A, %mul3A_1 : i32
    "tpu.region"() ({
      %run_scoped3A = tpu.sem_alloc : memref<!tpu.dma_semaphore, #tpu.memory_space<semaphore_mem>>
      %dma_start3A_49 = tpu.memref_slice %arg2[%mul3A_2] : memref<2048xi32, #tpu.memory_space<hbm>> -> memref<64xi32, #tpu.memory_space<hbm>>
      %dma_start3A_50 = tpu.memref_slice %arg2[%mul3A_2] : memref<2048xi32, #tpu.memory_space<hbm>> -> memref<64xi32, #tpu.memory_space<hbm>>
      tpu.enqueue_dma source(%dma_start3A_50 : memref<64xi32, #tpu.memory_space<hbm>>) target(%arg7 : memref<64xi32, #tpu.memory_space<vmem>>) target_semaphore(%run_scoped3A : memref<!tpu.dma_semaphore, #tpu.memory_space<semaphore_mem>>)
      %dma_wait3A_51 = tpu.memref_slice %arg2[%mul3A_2] : memref<2048xi32, #tpu.memory_space<hbm>> -> memref<64xi32, #tpu.memory_space<hbm>>
      %dma_wait3A_52 = tpu.memref_slice %arg2[%mul3A_2] : memref<2048xi32, #tpu.memory_space<hbm>> -> memref<64xi32, #tpu.memory_space<hbm>>
      tpu.wait_dma2 semaphore(%run_scoped3A : memref<!tpu.dma_semaphore, #tpu.memory_space<semaphore_mem>>) src(%dma_wait3A_52 : memref<64xi32, #tpu.memory_space<hbm>>) dst(%arg7 : memref<64xi32, #tpu.memory_space<vmem>>)
      tpu.yield
    }) : () -> ()
    "tpu.region"() ({
      %run_scoped3A = tpu.sem_alloc : memref<!tpu.dma_semaphore, #tpu.memory_space<semaphore_mem>>
      %dma_start3A_49 = tpu.memref_slice %arg3[%mul3A_2] : memref<2048xi32, #tpu.memory_space<hbm>> -> memref<64xi32, #tpu.memory_space<hbm>>
      %dma_start3A_50 = tpu.memref_slice %arg3[%mul3A_2] : memref<2048xi32, #tpu.memory_space<hbm>> -> memref<64xi32, #tpu.memory_space<hbm>>
      tpu.enqueue_dma source(%dma_start3A_50 : memref<64xi32, #tpu.memory_space<hbm>>) target(%arg8 : memref<64xi32, #tpu.memory_space<vmem>>) target_semaphore(%run_scoped3A : memref<!tpu.dma_semaphore, #tpu.memory_space<semaphore_mem>>)
      %dma_wait3A_51 = tpu.memref_slice %arg3[%mul3A_2] : memref<2048xi32, #tpu.memory_space<hbm>> -> memref<64xi32, #tpu.memory_space<hbm>>
      %dma_wait3A_52 = tpu.memref_slice %arg3[%mul3A_2] : memref<2048xi32, #tpu.memory_space<hbm>> -> memref<64xi32, #tpu.memory_space<hbm>>
      tpu.wait_dma2 semaphore(%run_scoped3A : memref<!tpu.dma_semaphore, #tpu.memory_space<semaphore_mem>>) src(%dma_wait3A_52 : memref<64xi32, #tpu.memory_space<hbm>>) dst(%arg8 : memref<64xi32, #tpu.memory_space<vmem>>)
      tpu.yield
    }) : () -> ()
    %dma_start3A = arith.constant 0 : i32
    %dma_start3A_3 = tpu.memref_slice %arg7[%dma_start3A] : memref<64xi32, #tpu.memory_space<vmem>> -> memref<32xi32, #tpu.memory_space<vmem>>
    %dma_start3A_4 = arith.constant 0 : i32
    %dma_start3A_5 = arith.constant 0 : i32
    %dma_start3A_6 = tpu.memref_slice %arg4[%dma_start3A_4, %dma_start3A_5] : memref<6144x1024xf32, #tpu.memory_space<hbm>> -> memref<6144x1024xf32, #tpu.memory_space<hbm>>
    tpu.enqueue_indirect_dma source(%dma_start3A_6 : memref<6144x1024xf32, #tpu.memory_space<hbm>>) target(%arg9 : memref<32x1024xf32, #tpu.memory_space<vmem>>) offsets(%dma_start3A_3 : memref<32xi32, #tpu.memory_space<vmem>>) semaphore(%arg11 : memref<!tpu.dma_semaphore, #tpu.memory_space<semaphore_mem>>)
    %dma_start3A_7 = arith.constant 0 : i32
    %dma_start3A_8 = tpu.memref_slice %arg8[%dma_start3A_7] : memref<64xi32, #tpu.memory_space<vmem>> -> memref<32xi32, #tpu.memory_space<vmem>>
    %dma_start3A_9 = arith.constant 0 : i32
    %dma_start3A_10 = arith.constant 0 : i32
    %dma_start3A_11 = tpu.memref_slice %arg4[%dma_start3A_9, %dma_start3A_10] : memref<6144x1024xf32, #tpu.memory_space<hbm>> -> memref<6144x1024xf32, #tpu.memory_space<hbm>>
    tpu.enqueue_indirect_dma source(%dma_start3A_11 : memref<6144x1024xf32, #tpu.memory_space<hbm>>) target(%arg10 : memref<32x1024xf32, #tpu.memory_space<vmem>>) offsets(%dma_start3A_8 : memref<32xi32, #tpu.memory_space<vmem>>) semaphore(%arg12 : memref<!tpu.dma_semaphore, #tpu.memory_space<semaphore_mem>>)
    %dma_wait3A = arith.constant 0 : i32
    %dma_wait3A_12 = tpu.memref_slice %arg7[%dma_wait3A] : memref<64xi32, #tpu.memory_space<vmem>> -> memref<32xi32, #tpu.memory_space<vmem>>
    %dma_wait3A_13 = arith.constant 0 : i32
    %dma_wait3A_14 = arith.constant 0 : i32
    %dma_wait3A_15 = tpu.memref_slice %arg4[%dma_wait3A_13, %dma_wait3A_14] : memref<6144x1024xf32, #tpu.memory_space<hbm>> -> memref<6144x1024xf32, #tpu.memory_space<hbm>>
    tpu.wait_indirect_dma semaphore(%arg11 : memref<!tpu.dma_semaphore, #tpu.memory_space<semaphore_mem>>) src(%dma_wait3A_15 : memref<6144x1024xf32, #tpu.memory_space<hbm>>) dst(%arg9 : memref<32x1024xf32, #tpu.memory_space<vmem>>)
    %dma_wait3A_16 = arith.constant 0 : i32
    %dma_wait3A_17 = tpu.memref_slice %arg8[%dma_wait3A_16] : memref<64xi32, #tpu.memory_space<vmem>> -> memref<32xi32, #tpu.memory_space<vmem>>
    %dma_wait3A_18 = arith.constant 0 : i32
    %dma_wait3A_19 = arith.constant 0 : i32
    %dma_wait3A_20 = tpu.memref_slice %arg4[%dma_wait3A_18, %dma_wait3A_19] : memref<6144x1024xf32, #tpu.memory_space<hbm>> -> memref<6144x1024xf32, #tpu.memory_space<hbm>>
    tpu.wait_indirect_dma semaphore(%arg12 : memref<!tpu.dma_semaphore, #tpu.memory_space<semaphore_mem>>) src(%dma_wait3A_20 : memref<6144x1024xf32, #tpu.memory_space<hbm>>) dst(%arg10 : memref<32x1024xf32, #tpu.memory_space<vmem>>)
    %add3A_21 = arith.constant 0 : i32
    %add3A_22 = arith.addi %mul3A_2, %add3A_21 : i32
    "tpu.region"() ({
      %run_scoped3A = tpu.sem_alloc : memref<!tpu.dma_semaphore, #tpu.memory_space<semaphore_mem>>
      %dma_start3A_49 = arith.constant 0 : i32
      %dma_start3A_50 = tpu.memref_slice %arg5[%add3A_22, %dma_start3A_49] : memref<2048x1024xf32, #tpu.memory_space<hbm>> -> memref<32x1024xf32, #tpu.memory_space<hbm>>
      %dma_start3A_51 = arith.constant 0 : i32
      %dma_start3A_52 = tpu.memref_slice %arg5[%add3A_22, %dma_start3A_51] : memref<2048x1024xf32, #tpu.memory_space<hbm>> -> memref<32x1024xf32, #tpu.memory_space<hbm>>
      tpu.enqueue_dma source(%arg9 : memref<32x1024xf32, #tpu.memory_space<vmem>>) target(%dma_start3A_52 : memref<32x1024xf32, #tpu.memory_space<hbm>>) target_semaphore(%run_scoped3A : memref<!tpu.dma_semaphore, #tpu.memory_space<semaphore_mem>>)
      %dma_wait3A_53 = arith.constant 0 : i32
      %dma_wait3A_54 = tpu.memref_slice %arg5[%add3A_22, %dma_wait3A_53] : memref<2048x1024xf32, #tpu.memory_space<hbm>> -> memref<32x1024xf32, #tpu.memory_space<hbm>>
      %dma_wait3A_55 = arith.constant 0 : i32
      %dma_wait3A_56 = tpu.memref_slice %arg5[%add3A_22, %dma_wait3A_55] : memref<2048x1024xf32, #tpu.memory_space<hbm>> -> memref<32x1024xf32, #tpu.memory_space<hbm>>
      tpu.wait_dma2 semaphore(%run_scoped3A : memref<!tpu.dma_semaphore, #tpu.memory_space<semaphore_mem>>) src(%arg9 : memref<32x1024xf32, #tpu.memory_space<vmem>>) dst(%dma_wait3A_56 : memref<32x1024xf32, #tpu.memory_space<hbm>>)
      tpu.yield
    }) : () -> ()
    %add3A_23 = arith.constant 0 : i32
    %add3A_24 = arith.addi %mul3A_2, %add3A_23 : i32
    "tpu.region"() ({
      %run_scoped3A = tpu.sem_alloc : memref<!tpu.dma_semaphore, #tpu.memory_space<semaphore_mem>>
      %dma_start3A_49 = arith.constant 0 : i32
      %dma_start3A_50 = tpu.memref_slice %arg6[%add3A_24, %dma_start3A_49] : memref<2048x1024xf32, #tpu.memory_space<hbm>> -> memref<32x1024xf32, #tpu.memory_space<hbm>>
      %dma_start3A_51 = arith.constant 0 : i32
      %dma_start3A_52 = tpu.memref_slice %arg6[%add3A_24, %dma_start3A_51] : memref<2048x1024xf32, #tpu.memory_space<hbm>> -> memref<32x1024xf32, #tpu.memory_space<hbm>>
      tpu.enqueue_dma source(%arg10 : memref<32x1024xf32, #tpu.memory_space<vmem>>) target(%dma_start3A_52 : memref<32x1024xf32, #tpu.memory_space<hbm>>) target_semaphore(%run_scoped3A : memref<!tpu.dma_semaphore, #tpu.memory_space<semaphore_mem>>)
      %dma_wait3A_53 = arith.constant 0 : i32
      %dma_wait3A_54 = tpu.memref_slice %arg6[%add3A_24, %dma_wait3A_53] : memref<2048x1024xf32, #tpu.memory_space<hbm>> -> memref<32x1024xf32, #tpu.memory_space<hbm>>
      %dma_wait3A_55 = arith.constant 0 : i32
      %dma_wait3A_56 = tpu.memref_slice %arg6[%add3A_24, %dma_wait3A_55] : memref<2048x1024xf32, #tpu.memory_space<hbm>> -> memref<32x1024xf32, #tpu.memory_space<hbm>>
      tpu.wait_dma2 semaphore(%run_scoped3A : memref<!tpu.dma_semaphore, #tpu.memory_space<semaphore_mem>>) src(%arg10 : memref<32x1024xf32, #tpu.memory_space<vmem>>) dst(%dma_wait3A_56 : memref<32x1024xf32, #tpu.memory_space<hbm>>)
      tpu.yield
    }) : () -> ()
    %dma_start3A_25 = arith.constant 32 : i32
    %dma_start3A_26 = tpu.memref_slice %arg7[%dma_start3A_25] : memref<64xi32, #tpu.memory_space<vmem>> -> memref<32xi32, #tpu.memory_space<vmem>>
    %dma_start3A_27 = arith.constant 0 : i32
    %dma_start3A_28 = arith.constant 0 : i32
    %dma_start3A_29 = tpu.memref_slice %arg4[%dma_start3A_27, %dma_start3A_28] : memref<6144x1024xf32, #tpu.memory_space<hbm>> -> memref<6144x1024xf32, #tpu.memory_space<hbm>>
    tpu.enqueue_indirect_dma source(%dma_start3A_29 : memref<6144x1024xf32, #tpu.memory_space<hbm>>) target(%arg9 : memref<32x1024xf32, #tpu.memory_space<vmem>>) offsets(%dma_start3A_26 : memref<32xi32, #tpu.memory_space<vmem>>) semaphore(%arg11 : memref<!tpu.dma_semaphore, #tpu.memory_space<semaphore_mem>>)
    %dma_start3A_30 = arith.constant 32 : i32
    %dma_start3A_31 = tpu.memref_slice %arg8[%dma_start3A_30] : memref<64xi32, #tpu.memory_space<vmem>> -> memref<32xi32, #tpu.memory_space<vmem>>
    %dma_start3A_32 = arith.constant 0 : i32
    %dma_start3A_33 = arith.constant 0 : i32
    %dma_start3A_34 = tpu.memref_slice %arg4[%dma_start3A_32, %dma_start3A_33] : memref<6144x1024xf32, #tpu.memory_space<hbm>> -> memref<6144x1024xf32, #tpu.memory_space<hbm>>
    tpu.enqueue_indirect_dma source(%dma_start3A_34 : memref<6144x1024xf32, #tpu.memory_space<hbm>>) target(%arg10 : memref<32x1024xf32, #tpu.memory_space<vmem>>) offsets(%dma_start3A_31 : memref<32xi32, #tpu.memory_space<vmem>>) semaphore(%arg12 : memref<!tpu.dma_semaphore, #tpu.memory_space<semaphore_mem>>)
    %dma_wait3A_35 = arith.constant 32 : i32
    %dma_wait3A_36 = tpu.memref_slice %arg7[%dma_wait3A_35] : memref<64xi32, #tpu.memory_space<vmem>> -> memref<32xi32, #tpu.memory_space<vmem>>
    %dma_wait3A_37 = arith.constant 0 : i32
    %dma_wait3A_38 = arith.constant 0 : i32
    %dma_wait3A_39 = tpu.memref_slice %arg4[%dma_wait3A_37, %dma_wait3A_38] : memref<6144x1024xf32, #tpu.memory_space<hbm>> -> memref<6144x1024xf32, #tpu.memory_space<hbm>>
    tpu.wait_indirect_dma semaphore(%arg11 : memref<!tpu.dma_semaphore, #tpu.memory_space<semaphore_mem>>) src(%dma_wait3A_39 : memref<6144x1024xf32, #tpu.memory_space<hbm>>) dst(%arg9 : memref<32x1024xf32, #tpu.memory_space<vmem>>)
    %dma_wait3A_40 = arith.constant 32 : i32
    %dma_wait3A_41 = tpu.memref_slice %arg8[%dma_wait3A_40] : memref<64xi32, #tpu.memory_space<vmem>> -> memref<32xi32, #tpu.memory_space<vmem>>
    %dma_wait3A_42 = arith.constant 0 : i32
    %dma_wait3A_43 = arith.constant 0 : i32
    %dma_wait3A_44 = tpu.memref_slice %arg4[%dma_wait3A_42, %dma_wait3A_43] : memref<6144x1024xf32, #tpu.memory_space<hbm>> -> memref<6144x1024xf32, #tpu.memory_space<hbm>>
    tpu.wait_indirect_dma semaphore(%arg12 : memref<!tpu.dma_semaphore, #tpu.memory_space<semaphore_mem>>) src(%dma_wait3A_44 : memref<6144x1024xf32, #tpu.memory_space<hbm>>) dst(%arg10 : memref<32x1024xf32, #tpu.memory_space<vmem>>)
    %add3A_45 = arith.constant 32 : i32
    %add3A_46 = arith.addi %mul3A_2, %add3A_45 : i32
    "tpu.region"() ({
      %run_scoped3A = tpu.sem_alloc : memref<!tpu.dma_semaphore, #tpu.memory_space<semaphore_mem>>
      %dma_start3A_49 = arith.constant 0 : i32
      %dma_start3A_50 = tpu.memref_slice %arg5[%add3A_46, %dma_start3A_49] : memref<2048x1024xf32, #tpu.memory_space<hbm>> -> memref<32x1024xf32, #tpu.memory_space<hbm>>
      %dma_start3A_51 = arith.constant 0 : i32
      %dma_start3A_52 = tpu.memref_slice %arg5[%add3A_46, %dma_start3A_51] : memref<2048x1024xf32, #tpu.memory_space<hbm>> -> memref<32x1024xf32, #tpu.memory_space<hbm>>
      tpu.enqueue_dma source(%arg9 : memref<32x1024xf32, #tpu.memory_space<vmem>>) target(%dma_start3A_52 : memref<32x1024xf32, #tpu.memory_space<hbm>>) target_semaphore(%run_scoped3A : memref<!tpu.dma_semaphore, #tpu.memory_space<semaphore_mem>>)
      %dma_wait3A_53 = arith.constant 0 : i32
      %dma_wait3A_54 = tpu.memref_slice %arg5[%add3A_46, %dma_wait3A_53] : memref<2048x1024xf32, #tpu.memory_space<hbm>> -> memref<32x1024xf32, #tpu.memory_space<hbm>>
      %dma_wait3A_55 = arith.constant 0 : i32
      %dma_wait3A_56 = tpu.memref_slice %arg5[%add3A_46, %dma_wait3A_55] : memref<2048x1024xf32, #tpu.memory_space<hbm>> -> memref<32x1024xf32, #tpu.memory_space<hbm>>
      tpu.wait_dma2 semaphore(%run_scoped3A : memref<!tpu.dma_semaphore, #tpu.memory_space<semaphore_mem>>) src(%arg9 : memref<32x1024xf32, #tpu.memory_space<vmem>>) dst(%dma_wait3A_56 : memref<32x1024xf32, #tpu.memory_space<hbm>>)
      tpu.yield
    }) : () -> ()
    %add3A_47 = arith.constant 32 : i32
    %add3A_48 = arith.addi %mul3A_2, %add3A_47 : i32
    "tpu.region"() ({
      %run_scoped3A = tpu.sem_alloc : memref<!tpu.dma_semaphore, #tpu.memory_space<semaphore_mem>>
      %dma_start3A_49 = arith.constant 0 : i32
      %dma_start3A_50 = tpu.memref_slice %arg6[%add3A_48, %dma_start3A_49] : memref<2048x1024xf32, #tpu.memory_space<hbm>> -> memref<32x1024xf32, #tpu.memory_space<hbm>>
      %dma_start3A_51 = arith.constant 0 : i32
      %dma_start3A_52 = tpu.memref_slice %arg6[%add3A_48, %dma_start3A_51] : memref<2048x1024xf32, #tpu.memory_space<hbm>> -> memref<32x1024xf32, #tpu.memory_space<hbm>>
      tpu.enqueue_dma source(%arg10 : memref<32x1024xf32, #tpu.memory_space<vmem>>) target(%dma_start3A_52 : memref<32x1024xf32, #tpu.memory_space<hbm>>) target_semaphore(%run_scoped3A : memref<!tpu.dma_semaphore, #tpu.memory_space<semaphore_mem>>)
      %dma_wait3A_53 = arith.constant 0 : i32
      %dma_wait3A_54 = tpu.memref_slice %arg6[%add3A_48, %dma_wait3A_53] : memref<2048x1024xf32, #tpu.memory_space<hbm>> -> memref<32x1024xf32, #tpu.memory_space<hbm>>
      %dma_wait3A_55 = arith.constant 0 : i32
      %dma_wait3A_56 = tpu.memref_slice %arg6[%add3A_48, %dma_wait3A_55] : memref<2048x1024xf32, #tpu.memory_space<hbm>> -> memref<32x1024xf32, #tpu.memory_space<hbm>>
      tpu.wait_dma2 semaphore(%run_scoped3A : memref<!tpu.dma_semaphore, #tpu.memory_space<semaphore_mem>>) src(%arg10 : memref<32x1024xf32, #tpu.memory_space<vmem>>) dst(%dma_wait3A_56 : memref<32x1024xf32, #tpu.memory_space<hbm>>)
      tpu.yield
    }) : () -> ()
    return
  }
}

module attributes {stable_mosaic.version = 14 : i64} {
  func.func @_router_body(%arg0: memref<2048x1024xf32, #tpu.memory_space<vmem>>, %arg1: memref<1024x16xf32, #tpu.memory_space<vmem>>, %arg2: memref<2048x1xi32, #tpu.memory_space<vmem>>, %arg3: memref<2048x1xi32, #tpu.memory_space<vmem>>, %arg4: memref<2048x1xf32, #tpu.memory_space<vmem>>, %arg5: memref<2048x1xf32, #tpu.memory_space<vmem>>, %arg6: memref<48x1xi32, #tpu.memory_space<vmem>>, %arg7: memref<1x1xi32, #tpu.memory_space<vmem>>) attributes {dimension_semantics = [], scalar_prefetch = 0 : i64, scratch_operands = 0 : i64, tpu.core_type = #tpu.core_type<tc>} {
    %get3A = arith.constant 0 : index
    %get3A_0 = arith.constant 0 : index
    %get3A_1 = vector.load %arg0[%get3A, %get3A_0] : memref<2048x1024xf32, #tpu.memory_space<vmem>>, vector<2048x1024xf32>
    %get3A_2 = arith.constant 0 : index
    %get3A_3 = arith.constant 0 : index
    %get3A_4 = vector.load %arg1[%get3A_2, %get3A_3] : memref<1024x16xf32, #tpu.memory_space<vmem>>, vector<1024x16xf32>
    %dot_general3A = arith.constant dense<0.000000e+00> : vector<2048x16xf32>
    %dot_general3A_5 = tpu.matmul %get3A_1, %get3A_4, %dot_general3A {dimension_numbers = #tpu.dot_dimension_numbers<[1], [0], [0], [1], [0, 0, 1, 1], [], []>, transpose_lhs_hint = false} : vector<2048x1024xf32>, vector<1024x16xf32>, vector<2048x16xf32> -> vector<2048x16xf32>
    %logistic3A = arith.negf %dot_general3A_5 : vector<2048x16xf32>
    %logistic3A_6 = math.exp %logistic3A : vector<2048x16xf32>
    %logistic3A_7 = arith.constant 1.000000e+00 : f32
    %logistic3A_8 = vector.broadcast %logistic3A_7 : f32 to vector<2048x16xf32>
    %logistic3A_9 = arith.addf %logistic3A_8, %logistic3A_6 : vector<2048x16xf32>
    %logistic3A_10 = arith.divf %logistic3A_8, %logistic3A_9 : vector<2048x16xf32>
    %iota3A = tpu.iota {dimensions = array<i32: 1>} : vector<2048x16xi32>
    %reduce_max3A = arith.constant dense<0xFF800000> : vector<2048xf32>
    %reduce_max3A_11 = vector.multi_reduction <maximumf>, %logistic3A_10, %reduce_max3A [1] : vector<2048x16xf32> to vector<2048xf32>
    %broadcast_in_dim3A = vector.shape_cast %reduce_max3A_11 : vector<2048xf32> to vector<2048x1xf32>
    %eq3A = vector.broadcast %broadcast_in_dim3A : vector<2048x1xf32> to vector<2048x16xf32>
    %eq3A_12 = arith.cmpf oeq, %logistic3A_10, %eq3A : vector<2048x16xf32>
    %jit3A = arith.constant 16 : i32
    %broadcast_in_dim3A_13 = vector.broadcast %jit3A : i32 to vector<2048x16xi32>
    %select_n3A = arith.select %eq3A_12, %iota3A, %broadcast_in_dim3A_13 : vector<2048x16xi1>, vector<2048x16xi32>
    %reduce_min3A = arith.constant dense<2147483647> : vector<2048xi32>
    %reduce_min3A_14 = vector.multi_reduction <minsi>, %select_n3A, %reduce_min3A [1] : vector<2048x16xi32> to vector<2048xi32>
    %broadcast_in_dim3A_15 = vector.shape_cast %reduce_min3A_14 : vector<2048xi32> to vector<2048x1xi32>
    %eq3A_16 = vector.broadcast %broadcast_in_dim3A_15 : vector<2048x1xi32> to vector<2048x16xi32>
    %eq3A_17 = arith.cmpi eq, %iota3A, %eq3A_16 : vector<2048x16xi32>
    %jit3A_18 = arith.constant -1.000000e+00 : f32
    %broadcast_in_dim3A_19 = vector.broadcast %jit3A_18 : f32 to vector<2048x16xf32>
    %select_n3A_20 = arith.select %eq3A_17, %broadcast_in_dim3A_19, %logistic3A_10 : vector<2048x16xi1>, vector<2048x16xf32>
    %reduce_max3A_21 = arith.constant dense<0xFF800000> : vector<2048xf32>
    %reduce_max3A_22 = vector.multi_reduction <maximumf>, %select_n3A_20, %reduce_max3A_21 [1] : vector<2048x16xf32> to vector<2048xf32>
    %broadcast_in_dim3A_23 = vector.shape_cast %reduce_max3A_22 : vector<2048xf32> to vector<2048x1xf32>
    %eq3A_24 = vector.broadcast %broadcast_in_dim3A_23 : vector<2048x1xf32> to vector<2048x16xf32>
    %eq3A_25 = arith.cmpf oeq, %select_n3A_20, %eq3A_24 : vector<2048x16xf32>
    %jit3A_26 = arith.constant 16 : i32
    %broadcast_in_dim3A_27 = vector.broadcast %jit3A_26 : i32 to vector<2048x16xi32>
    %select_n3A_28 = arith.select %eq3A_25, %iota3A, %broadcast_in_dim3A_27 : vector<2048x16xi1>, vector<2048x16xi32>
    %reduce_min3A_29 = arith.constant dense<2147483647> : vector<2048xi32>
    %reduce_min3A_30 = vector.multi_reduction <minsi>, %select_n3A_28, %reduce_min3A_29 [1] : vector<2048x16xi32> to vector<2048xi32>
    %broadcast_in_dim3A_31 = vector.shape_cast %reduce_min3A_30 : vector<2048xi32> to vector<2048x1xi32>
    %eq3A_32 = vector.broadcast %broadcast_in_dim3A_31 : vector<2048x1xi32> to vector<2048x16xi32>
    %eq3A_33 = arith.cmpi eq, %iota3A, %eq3A_32 : vector<2048x16xi32>
    %add3A = arith.addf %broadcast_in_dim3A, %broadcast_in_dim3A_23 : vector<2048x1xf32>
    %add3A_34 = arith.constant 9.99999968E-21 : f32
    %add3A_35 = vector.broadcast %add3A_34 : f32 to vector<2048x1xf32>
    %add3A_36 = arith.addf %add3A, %add3A_35 : vector<2048x1xf32>
    %div3A = arith.divf %broadcast_in_dim3A, %add3A_36 : vector<2048x1xf32>
    %mul3A = arith.constant 2.500000e+00 : f32
    %mul3A_37 = vector.broadcast %mul3A : f32 to vector<2048x1xf32>
    %mul3A_38 = arith.mulf %div3A, %mul3A_37 : vector<2048x1xf32>
    %swap3A = arith.constant 0 : index
    %swap3A_39 = arith.constant 0 : index
    %swap3A_40 = vector.load %arg4[%swap3A, %swap3A_39] : memref<2048x1xf32, #tpu.memory_space<vmem>>, vector<2048x1xf32>
    tpu.vector_store %arg4[%swap3A, %swap3A_39], %mul3A_38 {strides = array<i32>} : memref<2048x1xf32, #tpu.memory_space<vmem>>, vector<2048x1xf32>,
    %div3A_41 = arith.divf %broadcast_in_dim3A_23, %add3A_36 : vector<2048x1xf32>
    %mul3A_42 = arith.constant 2.500000e+00 : f32
    %mul3A_43 = vector.broadcast %mul3A_42 : f32 to vector<2048x1xf32>
    %mul3A_44 = arith.mulf %div3A_41, %mul3A_43 : vector<2048x1xf32>
    %swap3A_45 = arith.constant 0 : index
    %swap3A_46 = arith.constant 0 : index
    %swap3A_47 = vector.load %arg5[%swap3A_45, %swap3A_46] : memref<2048x1xf32, #tpu.memory_space<vmem>>, vector<2048x1xf32>
    tpu.vector_store %arg5[%swap3A_45, %swap3A_46], %mul3A_44 {strides = array<i32>} : memref<2048x1xf32, #tpu.memory_space<vmem>>, vector<2048x1xf32>,
    %convert_element_type3A = arith.extui %eq3A_17 : vector<2048x16xi1> to vector<2048x16xi32>
    %convert_element_type3A_48 = arith.sitofp %convert_element_type3A : vector<2048x16xi32> to vector<2048x16xf32>
    %convert_element_type3A_49 = arith.extui %eq3A_33 : vector<2048x16xi1> to vector<2048x16xi32>
    %convert_element_type3A_50 = arith.sitofp %convert_element_type3A_49 : vector<2048x16xi32> to vector<2048x16xf32>
    %broadcast_in_dim3A_51 = arith.constant 0.000000e+00 : f32
    %broadcast_in_dim3A_52 = vector.broadcast %broadcast_in_dim3A_51 : f32 to vector<1x16xf32>
    %slice3A = vector.extract_strided_slice %convert_element_type3A_48 {offsets = [0, 0], sizes = [2047, 16], strides = [1, 1]} : vector<2048x16xf32> to vector<2047x16xf32>
    %concatenate3A = tpu.concatenate %broadcast_in_dim3A_52, %slice3A in 0 : vector<1x16xf32>, vector<2047x16xf32> -> vector<2048x16xf32>
    %add3A_53 = arith.addf %convert_element_type3A_48, %concatenate3A : vector<2048x16xf32>
    %broadcast_in_dim3A_54 = arith.constant 0.000000e+00 : f32
    %broadcast_in_dim3A_55 = vector.broadcast %broadcast_in_dim3A_54 : f32 to vector<2x16xf32>
    %slice3A_56 = vector.extract_strided_slice %add3A_53 {offsets = [0, 0], sizes = [2046, 16], strides = [1, 1]} : vector<2048x16xf32> to vector<2046x16xf32>
    %concatenate3A_57 = tpu.concatenate %broadcast_in_dim3A_55, %slice3A_56 in 0 : vector<2x16xf32>, vector<2046x16xf32> -> vector<2048x16xf32>
    %add3A_58 = arith.addf %add3A_53, %concatenate3A_57 : vector<2048x16xf32>
    %broadcast_in_dim3A_59 = arith.constant 0.000000e+00 : f32
    %broadcast_in_dim3A_60 = vector.broadcast %broadcast_in_dim3A_59 : f32 to vector<4x16xf32>
    %slice3A_61 = vector.extract_strided_slice %add3A_58 {offsets = [0, 0], sizes = [2044, 16], strides = [1, 1]} : vector<2048x16xf32> to vector<2044x16xf32>
    %concatenate3A_62 = tpu.concatenate %broadcast_in_dim3A_60, %slice3A_61 in 0 : vector<4x16xf32>, vector<2044x16xf32> -> vector<2048x16xf32>
    %add3A_63 = arith.addf %add3A_58, %concatenate3A_62 : vector<2048x16xf32>
    %broadcast_in_dim3A_64 = arith.constant 0.000000e+00 : f32
    %broadcast_in_dim3A_65 = vector.broadcast %broadcast_in_dim3A_64 : f32 to vector<8x16xf32>
    %slice3A_66 = vector.extract_strided_slice %add3A_63 {offsets = [0, 0], sizes = [2040, 16], strides = [1, 1]} : vector<2048x16xf32> to vector<2040x16xf32>
    %concatenate3A_67 = tpu.concatenate %broadcast_in_dim3A_65, %slice3A_66 in 0 : vector<8x16xf32>, vector<2040x16xf32> -> vector<2048x16xf32>
    %add3A_68 = arith.addf %add3A_63, %concatenate3A_67 : vector<2048x16xf32>
    %broadcast_in_dim3A_69 = arith.constant 0.000000e+00 : f32
    %broadcast_in_dim3A_70 = vector.broadcast %broadcast_in_dim3A_69 : f32 to vector<16x16xf32>
    %slice3A_71 = vector.extract_strided_slice %add3A_68 {offsets = [0, 0], sizes = [2032, 16], strides = [1, 1]} : vector<2048x16xf32> to vector<2032x16xf32>
    %concatenate3A_72 = tpu.concatenate %broadcast_in_dim3A_70, %slice3A_71 in 0 : vector<16x16xf32>, vector<2032x16xf32> -> vector<2048x16xf32>
    %add3A_73 = arith.addf %add3A_68, %concatenate3A_72 : vector<2048x16xf32>
    %broadcast_in_dim3A_74 = arith.constant 0.000000e+00 : f32
    %broadcast_in_dim3A_75 = vector.broadcast %broadcast_in_dim3A_74 : f32 to vector<32x16xf32>
    %slice3A_76 = vector.extract_strided_slice %add3A_73 {offsets = [0, 0], sizes = [2016, 16], strides = [1, 1]} : vector<2048x16xf32> to vector<2016x16xf32>
    %concatenate3A_77 = tpu.concatenate %broadcast_in_dim3A_75, %slice3A_76 in 0 : vector<32x16xf32>, vector<2016x16xf32> -> vector<2048x16xf32>
    %add3A_78 = arith.addf %add3A_73, %concatenate3A_77 : vector<2048x16xf32>
    %broadcast_in_dim3A_79 = arith.constant 0.000000e+00 : f32
    %broadcast_in_dim3A_80 = vector.broadcast %broadcast_in_dim3A_79 : f32 to vector<64x16xf32>
    %slice3A_81 = vector.extract_strided_slice %add3A_78 {offsets = [0, 0], sizes = [1984, 16], strides = [1, 1]} : vector<2048x16xf32> to vector<1984x16xf32>
    %concatenate3A_82 = tpu.concatenate %broadcast_in_dim3A_80, %slice3A_81 in 0 : vector<64x16xf32>, vector<1984x16xf32> -> vector<2048x16xf32>
    %add3A_83 = arith.addf %add3A_78, %concatenate3A_82 : vector<2048x16xf32>
    %broadcast_in_dim3A_84 = arith.constant 0.000000e+00 : f32
    %broadcast_in_dim3A_85 = vector.broadcast %broadcast_in_dim3A_84 : f32 to vector<128x16xf32>
    %slice3A_86 = vector.extract_strided_slice %add3A_83 {offsets = [0, 0], sizes = [1920, 16], strides = [1, 1]} : vector<2048x16xf32> to vector<1920x16xf32>
    %concatenate3A_87 = tpu.concatenate %broadcast_in_dim3A_85, %slice3A_86 in 0 : vector<128x16xf32>, vector<1920x16xf32> -> vector<2048x16xf32>
    %add3A_88 = arith.addf %add3A_83, %concatenate3A_87 : vector<2048x16xf32>
    %broadcast_in_dim3A_89 = arith.constant 0.000000e+00 : f32
    %broadcast_in_dim3A_90 = vector.broadcast %broadcast_in_dim3A_89 : f32 to vector<256x16xf32>
    %slice3A_91 = vector.extract_strided_slice %add3A_88 {offsets = [0, 0], sizes = [1792, 16], strides = [1, 1]} : vector<2048x16xf32> to vector<1792x16xf32>
    %concatenate3A_92 = tpu.concatenate %broadcast_in_dim3A_90, %slice3A_91 in 0 : vector<256x16xf32>, vector<1792x16xf32> -> vector<2048x16xf32>
    %add3A_93 = arith.addf %add3A_88, %concatenate3A_92 : vector<2048x16xf32>
    %broadcast_in_dim3A_94 = arith.constant 0.000000e+00 : f32
    %broadcast_in_dim3A_95 = vector.broadcast %broadcast_in_dim3A_94 : f32 to vector<512x16xf32>
    %slice3A_96 = vector.extract_strided_slice %add3A_93 {offsets = [0, 0], sizes = [1536, 16], strides = [1, 1]} : vector<2048x16xf32> to vector<1536x16xf32>
    %concatenate3A_97 = tpu.concatenate %broadcast_in_dim3A_95, %slice3A_96 in 0 : vector<512x16xf32>, vector<1536x16xf32> -> vector<2048x16xf32>
    %add3A_98 = arith.addf %add3A_93, %concatenate3A_97 : vector<2048x16xf32>
    %broadcast_in_dim3A_99 = arith.constant 0.000000e+00 : f32
    %broadcast_in_dim3A_100 = vector.broadcast %broadcast_in_dim3A_99 : f32 to vector<1024x16xf32>
    %slice3A_101 = vector.extract_strided_slice %add3A_98 {offsets = [0, 0], sizes = [1024, 16], strides = [1, 1]} : vector<2048x16xf32> to vector<1024x16xf32>
    %concatenate3A_102 = tpu.concatenate %broadcast_in_dim3A_100, %slice3A_101 in 0 : vector<1024x16xf32>, vector<1024x16xf32> -> vector<2048x16xf32>
    %add3A_103 = arith.addf %add3A_98, %concatenate3A_102 : vector<2048x16xf32>
    %broadcast_in_dim3A_104 = arith.constant 0.000000e+00 : f32
    %broadcast_in_dim3A_105 = vector.broadcast %broadcast_in_dim3A_104 : f32 to vector<1x16xf32>
    %slice3A_106 = vector.extract_strided_slice %convert_element_type3A_50 {offsets = [0, 0], sizes = [2047, 16], strides = [1, 1]} : vector<2048x16xf32> to vector<2047x16xf32>
    %concatenate3A_107 = tpu.concatenate %broadcast_in_dim3A_105, %slice3A_106 in 0 : vector<1x16xf32>, vector<2047x16xf32> -> vector<2048x16xf32>
    %add3A_108 = arith.addf %convert_element_type3A_50, %concatenate3A_107 : vector<2048x16xf32>
    %broadcast_in_dim3A_109 = arith.constant 0.000000e+00 : f32
    %broadcast_in_dim3A_110 = vector.broadcast %broadcast_in_dim3A_109 : f32 to vector<2x16xf32>
    %slice3A_111 = vector.extract_strided_slice %add3A_108 {offsets = [0, 0], sizes = [2046, 16], strides = [1, 1]} : vector<2048x16xf32> to vector<2046x16xf32>
    %concatenate3A_112 = tpu.concatenate %broadcast_in_dim3A_110, %slice3A_111 in 0 : vector<2x16xf32>, vector<2046x16xf32> -> vector<2048x16xf32>
    %add3A_113 = arith.addf %add3A_108, %concatenate3A_112 : vector<2048x16xf32>
    %broadcast_in_dim3A_114 = arith.constant 0.000000e+00 : f32
    %broadcast_in_dim3A_115 = vector.broadcast %broadcast_in_dim3A_114 : f32 to vector<4x16xf32>
    %slice3A_116 = vector.extract_strided_slice %add3A_113 {offsets = [0, 0], sizes = [2044, 16], strides = [1, 1]} : vector<2048x16xf32> to vector<2044x16xf32>
    %concatenate3A_117 = tpu.concatenate %broadcast_in_dim3A_115, %slice3A_116 in 0 : vector<4x16xf32>, vector<2044x16xf32> -> vector<2048x16xf32>
    %add3A_118 = arith.addf %add3A_113, %concatenate3A_117 : vector<2048x16xf32>
    %broadcast_in_dim3A_119 = arith.constant 0.000000e+00 : f32
    %broadcast_in_dim3A_120 = vector.broadcast %broadcast_in_dim3A_119 : f32 to vector<8x16xf32>
    %slice3A_121 = vector.extract_strided_slice %add3A_118 {offsets = [0, 0], sizes = [2040, 16], strides = [1, 1]} : vector<2048x16xf32> to vector<2040x16xf32>
    %concatenate3A_122 = tpu.concatenate %broadcast_in_dim3A_120, %slice3A_121 in 0 : vector<8x16xf32>, vector<2040x16xf32> -> vector<2048x16xf32>
    %add3A_123 = arith.addf %add3A_118, %concatenate3A_122 : vector<2048x16xf32>
    %broadcast_in_dim3A_124 = arith.constant 0.000000e+00 : f32
    %broadcast_in_dim3A_125 = vector.broadcast %broadcast_in_dim3A_124 : f32 to vector<16x16xf32>
    %slice3A_126 = vector.extract_strided_slice %add3A_123 {offsets = [0, 0], sizes = [2032, 16], strides = [1, 1]} : vector<2048x16xf32> to vector<2032x16xf32>
    %concatenate3A_127 = tpu.concatenate %broadcast_in_dim3A_125, %slice3A_126 in 0 : vector<16x16xf32>, vector<2032x16xf32> -> vector<2048x16xf32>
    %add3A_128 = arith.addf %add3A_123, %concatenate3A_127 : vector<2048x16xf32>
    %broadcast_in_dim3A_129 = arith.constant 0.000000e+00 : f32
    %broadcast_in_dim3A_130 = vector.broadcast %broadcast_in_dim3A_129 : f32 to vector<32x16xf32>
    %slice3A_131 = vector.extract_strided_slice %add3A_128 {offsets = [0, 0], sizes = [2016, 16], strides = [1, 1]} : vector<2048x16xf32> to vector<2016x16xf32>
    %concatenate3A_132 = tpu.concatenate %broadcast_in_dim3A_130, %slice3A_131 in 0 : vector<32x16xf32>, vector<2016x16xf32> -> vector<2048x16xf32>
    %add3A_133 = arith.addf %add3A_128, %concatenate3A_132 : vector<2048x16xf32>
    %broadcast_in_dim3A_134 = arith.constant 0.000000e+00 : f32
    %broadcast_in_dim3A_135 = vector.broadcast %broadcast_in_dim3A_134 : f32 to vector<64x16xf32>
    %slice3A_136 = vector.extract_strided_slice %add3A_133 {offsets = [0, 0], sizes = [1984, 16], strides = [1, 1]} : vector<2048x16xf32> to vector<1984x16xf32>
    %concatenate3A_137 = tpu.concatenate %broadcast_in_dim3A_135, %slice3A_136 in 0 : vector<64x16xf32>, vector<1984x16xf32> -> vector<2048x16xf32>
    %add3A_138 = arith.addf %add3A_133, %concatenate3A_137 : vector<2048x16xf32>
    %broadcast_in_dim3A_139 = arith.constant 0.000000e+00 : f32
    %broadcast_in_dim3A_140 = vector.broadcast %broadcast_in_dim3A_139 : f32 to vector<128x16xf32>
    %slice3A_141 = vector.extract_strided_slice %add3A_138 {offsets = [0, 0], sizes = [1920, 16], strides = [1, 1]} : vector<2048x16xf32> to vector<1920x16xf32>
    %concatenate3A_142 = tpu.concatenate %broadcast_in_dim3A_140, %slice3A_141 in 0 : vector<128x16xf32>, vector<1920x16xf32> -> vector<2048x16xf32>
    %add3A_143 = arith.addf %add3A_138, %concatenate3A_142 : vector<2048x16xf32>
    %broadcast_in_dim3A_144 = arith.constant 0.000000e+00 : f32
    %broadcast_in_dim3A_145 = vector.broadcast %broadcast_in_dim3A_144 : f32 to vector<256x16xf32>
    %slice3A_146 = vector.extract_strided_slice %add3A_143 {offsets = [0, 0], sizes = [1792, 16], strides = [1, 1]} : vector<2048x16xf32> to vector<1792x16xf32>
    %concatenate3A_147 = tpu.concatenate %broadcast_in_dim3A_145, %slice3A_146 in 0 : vector<256x16xf32>, vector<1792x16xf32> -> vector<2048x16xf32>
    %add3A_148 = arith.addf %add3A_143, %concatenate3A_147 : vector<2048x16xf32>
    %broadcast_in_dim3A_149 = arith.constant 0.000000e+00 : f32
    %broadcast_in_dim3A_150 = vector.broadcast %broadcast_in_dim3A_149 : f32 to vector<512x16xf32>
    %slice3A_151 = vector.extract_strided_slice %add3A_148 {offsets = [0, 0], sizes = [1536, 16], strides = [1, 1]} : vector<2048x16xf32> to vector<1536x16xf32>
    %concatenate3A_152 = tpu.concatenate %broadcast_in_dim3A_150, %slice3A_151 in 0 : vector<512x16xf32>, vector<1536x16xf32> -> vector<2048x16xf32>
    %add3A_153 = arith.addf %add3A_148, %concatenate3A_152 : vector<2048x16xf32>
    %broadcast_in_dim3A_154 = arith.constant 0.000000e+00 : f32
    %broadcast_in_dim3A_155 = vector.broadcast %broadcast_in_dim3A_154 : f32 to vector<1024x16xf32>
    %slice3A_156 = vector.extract_strided_slice %add3A_153 {offsets = [0, 0], sizes = [1024, 16], strides = [1, 1]} : vector<2048x16xf32> to vector<1024x16xf32>
    %concatenate3A_157 = tpu.concatenate %broadcast_in_dim3A_155, %slice3A_156 in 0 : vector<1024x16xf32>, vector<1024x16xf32> -> vector<2048x16xf32>
    %add3A_158 = arith.addf %add3A_153, %concatenate3A_157 : vector<2048x16xf32>
    %slice3A_159 = vector.extract_strided_slice %add3A_103 {offsets = [2047, 0], sizes = [1, 16], strides = [1, 1]} : vector<2048x16xf32> to vector<1x16xf32>
    %slice3A_160 = vector.extract_strided_slice %add3A_158 {offsets = [2047, 0], sizes = [1, 16], strides = [1, 1]} : vector<2048x16xf32> to vector<1x16xf32>
    %add3A_161 = arith.addf %slice3A_159, %slice3A_160 : vector<1x16xf32>
    %div3A_162 = arith.constant 1.280000e+02 : f32
    %div3A_163 = vector.broadcast %div3A_162 : f32 to vector<1x16xf32>
    %div3A_164 = arith.divf %add3A_161, %div3A_163 : vector<1x16xf32>
    %ceil3A = math.ceil %div3A_164 : vector<1x16xf32>
    %mul3A_165 = arith.constant 1.280000e+02 : f32
    %mul3A_166 = vector.broadcast %mul3A_165 : f32 to vector<1x16xf32>
    %mul3A_167 = arith.mulf %ceil3A, %mul3A_166 : vector<1x16xf32>
    %broadcast_in_dim3A_168 = arith.constant 0.000000e+00 : f32
    %broadcast_in_dim3A_169 = vector.broadcast %broadcast_in_dim3A_168 : f32 to vector<1x1xf32>
    %slice3A_170 = vector.extract_strided_slice %mul3A_167 {offsets = [0, 0], sizes = [1, 15], strides = [1, 1]} : vector<1x16xf32> to vector<1x15xf32>
    %concatenate3A_171 = tpu.concatenate %broadcast_in_dim3A_169, %slice3A_170 in 1 : vector<1x1xf32>, vector<1x15xf32> -> vector<1x16xf32>
    %add3A_172 = arith.addf %mul3A_167, %concatenate3A_171 : vector<1x16xf32>
    %broadcast_in_dim3A_173 = arith.constant 0.000000e+00 : f32
    %broadcast_in_dim3A_174 = vector.broadcast %broadcast_in_dim3A_173 : f32 to vector<1x2xf32>
    %slice3A_175 = vector.extract_strided_slice %add3A_172 {offsets = [0, 0], sizes = [1, 14], strides = [1, 1]} : vector<1x16xf32> to vector<1x14xf32>
    %concatenate3A_176 = tpu.concatenate %broadcast_in_dim3A_174, %slice3A_175 in 1 : vector<1x2xf32>, vector<1x14xf32> -> vector<1x16xf32>
    %add3A_177 = arith.addf %add3A_172, %concatenate3A_176 : vector<1x16xf32>
    %broadcast_in_dim3A_178 = arith.constant 0.000000e+00 : f32
    %broadcast_in_dim3A_179 = vector.broadcast %broadcast_in_dim3A_178 : f32 to vector<1x4xf32>
    %slice3A_180 = vector.extract_strided_slice %add3A_177 {offsets = [0, 0], sizes = [1, 12], strides = [1, 1]} : vector<1x16xf32> to vector<1x12xf32>
    %concatenate3A_181 = tpu.concatenate %broadcast_in_dim3A_179, %slice3A_180 in 1 : vector<1x4xf32>, vector<1x12xf32> -> vector<1x16xf32>
    %add3A_182 = arith.addf %add3A_177, %concatenate3A_181 : vector<1x16xf32>
    %broadcast_in_dim3A_183 = arith.constant 0.000000e+00 : f32
    %broadcast_in_dim3A_184 = vector.broadcast %broadcast_in_dim3A_183 : f32 to vector<1x8xf32>
    %slice3A_185 = vector.extract_strided_slice %add3A_182 {offsets = [0, 0], sizes = [1, 8], strides = [1, 1]} : vector<1x16xf32> to vector<1x8xf32>
    %concatenate3A_186 = tpu.concatenate %broadcast_in_dim3A_184, %slice3A_185 in 1 : vector<1x8xf32>, vector<1x8xf32> -> vector<1x16xf32>
    %add3A_187 = arith.addf %add3A_182, %concatenate3A_186 : vector<1x16xf32>
    %sub3A = arith.subf %add3A_187, %mul3A_167 : vector<1x16xf32>
    %mul3A_188 = arith.mulf %add3A_103, %convert_element_type3A_48 : vector<2048x16xf32>
    %reduce_sum3A = arith.constant dense<0.000000e+00> : vector<2048xf32>
    %reduce_sum3A_189 = vector.multi_reduction <add>, %mul3A_188, %reduce_sum3A [1] : vector<2048x16xf32> to vector<2048xf32>
    %broadcast_in_dim3A_190 = vector.shape_cast %reduce_sum3A_189 : vector<2048xf32> to vector<2048x1xf32>
    %sub3A_191 = arith.constant 1.000000e+00 : f32
    %sub3A_192 = vector.broadcast %sub3A_191 : f32 to vector<2048x1xf32>
    %sub3A_193 = arith.subf %broadcast_in_dim3A_190, %sub3A_192 : vector<2048x1xf32>
    %add3A_194 = vector.broadcast %slice3A_159 : vector<1x16xf32> to vector<2048x16xf32>
    %add3A_195 = arith.addf %add3A_194, %add3A_158 : vector<2048x16xf32>
    %mul3A_196 = arith.mulf %add3A_195, %convert_element_type3A_50 : vector<2048x16xf32>
    %reduce_sum3A_197 = arith.constant dense<0.000000e+00> : vector<2048xf32>
    %reduce_sum3A_198 = vector.multi_reduction <add>, %mul3A_196, %reduce_sum3A_197 [1] : vector<2048x16xf32> to vector<2048xf32>
    %broadcast_in_dim3A_199 = vector.shape_cast %reduce_sum3A_198 : vector<2048xf32> to vector<2048x1xf32>
    %sub3A_200 = arith.constant 1.000000e+00 : f32
    %sub3A_201 = vector.broadcast %sub3A_200 : f32 to vector<2048x1xf32>
    %sub3A_202 = arith.subf %broadcast_in_dim3A_199, %sub3A_201 : vector<2048x1xf32>
    %mul3A_203 = vector.broadcast %sub3A : vector<1x16xf32> to vector<2048x16xf32>
    %mul3A_204 = arith.mulf %mul3A_203, %convert_element_type3A_48 : vector<2048x16xf32>
    %reduce_sum3A_205 = arith.constant dense<0.000000e+00> : vector<2048xf32>
    %reduce_sum3A_206 = vector.multi_reduction <add>, %mul3A_204, %reduce_sum3A_205 [1] : vector<2048x16xf32> to vector<2048xf32>
    %broadcast_in_dim3A_207 = vector.shape_cast %reduce_sum3A_206 : vector<2048xf32> to vector<2048x1xf32>
    %add3A_208 = arith.addf %broadcast_in_dim3A_207, %sub3A_193 : vector<2048x1xf32>
    %convert_element_type3A_209 = arith.fptosi %add3A_208 : vector<2048x1xf32> to vector<2048x1xi32>
    %swap3A_210 = arith.constant 0 : index
    %swap3A_211 = arith.constant 0 : index
    %swap3A_212 = vector.load %arg2[%swap3A_210, %swap3A_211] : memref<2048x1xi32, #tpu.memory_space<vmem>>, vector<2048x1xi32>
    tpu.vector_store %arg2[%swap3A_210, %swap3A_211], %convert_element_type3A_209 {strides = array<i32>} : memref<2048x1xi32, #tpu.memory_space<vmem>>, vector<2048x1xi32>,
    %mul3A_213 = vector.broadcast %sub3A : vector<1x16xf32> to vector<2048x16xf32>
    %mul3A_214 = arith.mulf %mul3A_213, %convert_element_type3A_50 : vector<2048x16xf32>
    %reduce_sum3A_215 = arith.constant dense<0.000000e+00> : vector<2048xf32>
    %reduce_sum3A_216 = vector.multi_reduction <add>, %mul3A_214, %reduce_sum3A_215 [1] : vector<2048x16xf32> to vector<2048xf32>
    %broadcast_in_dim3A_217 = vector.shape_cast %reduce_sum3A_216 : vector<2048xf32> to vector<2048x1xf32>
    %add3A_218 = arith.addf %broadcast_in_dim3A_217, %sub3A_202 : vector<2048x1xf32>
    %convert_element_type3A_219 = arith.fptosi %add3A_218 : vector<2048x1xf32> to vector<2048x1xi32>
    %swap3A_220 = arith.constant 0 : index
    %swap3A_221 = arith.constant 0 : index
    %swap3A_222 = vector.load %arg3[%swap3A_220, %swap3A_221] : memref<2048x1xi32, #tpu.memory_space<vmem>>, vector<2048x1xi32>
    tpu.vector_store %arg3[%swap3A_220, %swap3A_221], %convert_element_type3A_219 {strides = array<i32>} : memref<2048x1xi32, #tpu.memory_space<vmem>>, vector<2048x1xi32>,
    %reduce_sum3A_223 = vector.shape_cast %mul3A_167 : vector<1x16xf32> to vector<1x1x16xf32>
    %reduce_sum3A_224 = arith.constant dense<0.000000e+00> : vector<1xf32>
    %reduce_sum3A_225 = vector.multi_reduction <add>, %reduce_sum3A_223, %reduce_sum3A_224 [1, 2] : vector<1x1x16xf32> to vector<1xf32>
    %reduce_sum3A_226 = vector.shape_cast %reduce_sum3A_225 : vector<1xf32> to vector<1x1x1xf32>
    %reduce_sum3A_227 = vector.extract %reduce_sum3A_226[0, 0, 0] : f32 from vector<1x1x1xf32>
    %div3A_228 = arith.constant 1.280000e+02 : f32
    %div3A_229 = arith.divf %reduce_sum3A_227, %div3A_228 : f32
    %broadcast_in_dim3A_230 = vector.broadcast %div3A_229 : f32 to vector<1x1xf32>
    %convert_element_type3A_231 = arith.fptosi %broadcast_in_dim3A_230 : vector<1x1xf32> to vector<1x1xi32>
    %swap3A_232 = arith.constant 0 : index
    %swap3A_233 = arith.constant 0 : index
    %swap3A_234 = vector.load %arg7[%swap3A_232, %swap3A_233] : memref<1x1xi32, #tpu.memory_space<vmem>>, vector<1x1xi32>
    tpu.vector_store %arg7[%swap3A_232, %swap3A_233], %convert_element_type3A_231 {strides = array<i32>} : memref<1x1xi32, #tpu.memory_space<vmem>>, vector<1x1xi32>,
    %iota3A_235 = tpu.iota {dimensions = array<i32: 0>} : vector<48x1xi32>
    %convert_element_type3A_236 = arith.sitofp %iota3A_235 : vector<48x1xi32> to vector<48x1xf32>
    %mul3A_237 = arith.constant 1.280000e+02 : f32
    %mul3A_238 = vector.broadcast %mul3A_237 : f32 to vector<48x1xf32>
    %mul3A_239 = arith.mulf %convert_element_type3A_236, %mul3A_238 : vector<48x1xf32>
    %add3A_240 = arith.addf %sub3A, %mul3A_167 : vector<1x16xf32>
    %le3A = vector.broadcast %add3A_240 : vector<1x16xf32> to vector<48x16xf32>
    %le3A_241 = vector.broadcast %mul3A_239 : vector<48x1xf32> to vector<48x16xf32>
    %le3A_242 = arith.cmpf ole, %le3A, %le3A_241 : vector<48x16xf32>
    %convert_element_type3A_243 = arith.extui %le3A_242 : vector<48x16xi1> to vector<48x16xi32>
    %convert_element_type3A_244 = arith.sitofp %convert_element_type3A_243 : vector<48x16xi32> to vector<48x16xf32>
    %reduce_sum3A_245 = arith.constant dense<0.000000e+00> : vector<48xf32>
    %reduce_sum3A_246 = vector.multi_reduction <add>, %convert_element_type3A_244, %reduce_sum3A_245 [1] : vector<48x16xf32> to vector<48xf32>
    %broadcast_in_dim3A_247 = vector.shape_cast %reduce_sum3A_246 : vector<48xf32> to vector<48x1xf32>
    %sub3A_248 = arith.constant 1.280000e+02 : f32
    %sub3A_249 = arith.subf %reduce_sum3A_227, %sub3A_248 : f32
    %le3A_250 = vector.broadcast %sub3A_249 : f32 to vector<1x16xf32>
    %le3A_251 = arith.cmpf ole, %add3A_240, %le3A_250 : vector<1x16xf32>
    %convert_element_type3A_252 = arith.extui %le3A_251 : vector<1x16xi1> to vector<1x16xi32>
    %convert_element_type3A_253 = arith.sitofp %convert_element_type3A_252 : vector<1x16xi32> to vector<1x16xf32>
    %reduce_sum3A_254 = arith.constant dense<0.000000e+00> : vector<1xf32>
    %reduce_sum3A_255 = vector.multi_reduction <add>, %convert_element_type3A_253, %reduce_sum3A_254 [1] : vector<1x16xf32> to vector<1xf32>
    %broadcast_in_dim3A_256 = vector.shape_cast %reduce_sum3A_255 : vector<1xf32> to vector<1x1xf32>
    %lt3A = vector.broadcast %reduce_sum3A_227 : f32 to vector<48x1xf32>
    %lt3A_257 = arith.cmpf olt, %mul3A_239, %lt3A : vector<48x1xf32>
    %broadcast_in_dim3A_258 = vector.shape_cast %broadcast_in_dim3A_256 : vector<1x1xf32> to vector<1x1xf32>
    %broadcast_in_dim3A_259 = vector.broadcast %broadcast_in_dim3A_258 : vector<1x1xf32> to vector<48x1xf32>
    %select_n3A_260 = arith.select %lt3A_257, %broadcast_in_dim3A_247, %broadcast_in_dim3A_259 : vector<48x1xi1>, vector<48x1xf32>
    %convert_element_type3A_261 = arith.fptosi %select_n3A_260 : vector<48x1xf32> to vector<48x1xi32>
    %swap3A_262 = arith.constant 0 : index
    %swap3A_263 = arith.constant 0 : index
    %swap3A_264 = vector.load %arg6[%swap3A_262, %swap3A_263] : memref<48x1xi32, #tpu.memory_space<vmem>>, vector<48x1xi32>
    tpu.vector_store %arg6[%swap3A_262, %swap3A_263], %convert_element_type3A_261 {strides = array<i32>} : memref<48x1xi32, #tpu.memory_space<vmem>>, vector<48x1xi32>,
    return
  }
}

module attributes {stable_mosaic.version = 14 : i64} {
  func.func @_mlp_body(%arg0: i32, %arg1: memref<48xi32, #tpu.memory_space<smem>>, %arg2: memref<1xi32, #tpu.memory_space<smem>>, %arg3: memref<128x1024xf32, #tpu.memory_space<vmem>>, %arg4: memref<128x1xf32, #tpu.memory_space<vmem>>, %arg5: memref<1x1024x2048xf32, #tpu.memory_space<vmem>>, %arg6: memref<1x1024x2xf32, #tpu.memory_space<vmem>>, %arg7: memref<1x1024x1024xf32, #tpu.memory_space<vmem>>, %arg8: memref<1x1x1024xf32, #tpu.memory_space<vmem>>, %arg9: memref<128x1024xf32, #tpu.memory_space<vmem>>) attributes {dimension_semantics = [#tpu.dimension_semantics<arbitrary>], iteration_bounds = array<i64: 48>, scalar_prefetch = 2 : i64, scratch_operands = 0 : i64, tpu.core_type = #tpu.core_type<tc>, window_params = [{transform_indices = @transform_0, window_bounds = array<i64: 128, 1024>}, {transform_indices = @transform_1, window_bounds = array<i64: 128, 1>}, {transform_indices = @transform_2, window_bounds = array<i64: 1, 1024, 2048>}, {transform_indices = @transform_3, window_bounds = array<i64: 1, 1024, 2>}, {transform_indices = @transform_4, window_bounds = array<i64: 1, 1024, 1024>}, {transform_indices = @transform_5, window_bounds = array<i64: 1, 1, 1024>}, {transform_indices = @transform_6, window_bounds = array<i64: 128, 1024>}]} {
    %get3A = arith.constant 0 : index
    %get3A_0 = memref.load %arg2[%get3A] : memref<1xi32, #tpu.memory_space<smem>>
    %lt3A = arith.cmpi slt, %arg0, %get3A_0 : i32
    %convert_element_type3A = arith.extui %lt3A : i1 to i32
    %cond3A = arith.constant 0 : i32
    %cond3A_1 = arith.cmpi ne, %convert_element_type3A, %cond3A : i32
    scf.if %cond3A_1 {
      %get3A_2 = arith.constant 0 : index
      %get3A_3 = arith.constant 0 : index
      %get3A_4 = vector.load %arg3[%get3A_2, %get3A_3] : memref<128x1024xf32, #tpu.memory_space<vmem>>, vector<128x1024xf32>
      %get3A_5 = arith.constant 0 : index
      %get3A_6 = arith.constant 0 : index
      %get3A_7 = arith.constant 0 : index
      %get3A_8 = vector.load %arg5[%get3A_5, %get3A_6, %get3A_7] : memref<1x1024x2048xf32, #tpu.memory_space<vmem>>, vector<1x1024x2048xf32>
      %get3A_9 = vector.shape_cast %get3A_8 : vector<1x1024x2048xf32> to vector<1024x2048xf32>
      %dot_general3A = arith.constant dense<0.000000e+00> : vector<2048x128xf32>
      %dot_general3A_10 = tpu.matmul %get3A_9, %get3A_4, %dot_general3A {dimension_numbers = #tpu.dot_dimension_numbers<[0], [1], [1], [0], [0, 1, 1, 0], [], []>, transpose_lhs_hint = false} : vector<1024x2048xf32>, vector<128x1024xf32>, vector<2048x128xf32> -> vector<2048x128xf32>
      %reshape3A = vector.shape_cast %dot_general3A_10 : vector<2048x128xf32> to vector<1024x2x128xf32>
      %get3A_11 = arith.constant 0 : index
      %get3A_12 = arith.constant 0 : index
      %get3A_13 = arith.constant 0 : index
      %get3A_14 = vector.load %arg6[%get3A_11, %get3A_12, %get3A_13] : memref<1x1024x2xf32, #tpu.memory_space<vmem>>, vector<1x1024x2xf32>
      %get3A_15 = vector.shape_cast %get3A_14 : vector<1x1024x2xf32> to vector<1024x2xf32>
      %slice3A = vector.extract_strided_slice %reshape3A {offsets = [0, 0, 0], sizes = [1024, 1, 128], strides = [1, 1, 1]} : vector<1024x2x128xf32> to vector<1024x1x128xf32>
      %squeeze3A = vector.shape_cast %slice3A : vector<1024x1x128xf32> to vector<1024x128xf32>
      %slice3A_16 = vector.extract_strided_slice %get3A_15 {offsets = [0, 0], sizes = [1024, 1], strides = [1, 1]} : vector<1024x2xf32> to vector<1024x1xf32>
      %add3A = vector.broadcast %slice3A_16 : vector<1024x1xf32> to vector<1024x128xf32>
      %add3A_17 = arith.addf %squeeze3A, %add3A : vector<1024x128xf32>
      %slice3A_18 = vector.extract_strided_slice %reshape3A {offsets = [0, 1, 0], sizes = [1024, 1, 128], strides = [1, 1, 1]} : vector<1024x2x128xf32> to vector<1024x1x128xf32>
      %squeeze3A_19 = vector.shape_cast %slice3A_18 : vector<1024x1x128xf32> to vector<1024x128xf32>
      %slice3A_20 = vector.extract_strided_slice %get3A_15 {offsets = [0, 1], sizes = [1024, 1], strides = [1, 1]} : vector<1024x2xf32> to vector<1024x1xf32>
      %add3A_21 = vector.broadcast %slice3A_20 : vector<1024x1xf32> to vector<1024x128xf32>
      %add3A_22 = arith.addf %squeeze3A_19, %add3A_21 : vector<1024x128xf32>
      %logistic3A = arith.negf %add3A_17 : vector<1024x128xf32>
      %logistic3A_23 = math.exp %logistic3A : vector<1024x128xf32>
      %logistic3A_24 = arith.constant 1.000000e+00 : f32
      %logistic3A_25 = vector.broadcast %logistic3A_24 : f32 to vector<1024x128xf32>
      %logistic3A_26 = arith.addf %logistic3A_25, %logistic3A_23 : vector<1024x128xf32>
      %logistic3A_27 = arith.divf %logistic3A_25, %logistic3A_26 : vector<1024x128xf32>
      %mul3A = arith.mulf %add3A_17, %logistic3A_27 : vector<1024x128xf32>
      %mul3A_28 = arith.mulf %mul3A, %add3A_22 : vector<1024x128xf32>
      %get3A_29 = arith.constant 0 : index
      %get3A_30 = arith.constant 0 : index
      %get3A_31 = arith.constant 0 : index
      %get3A_32 = vector.load %arg7[%get3A_29, %get3A_30, %get3A_31] : memref<1x1024x1024xf32, #tpu.memory_space<vmem>>, vector<1x1024x1024xf32>
      %get3A_33 = vector.shape_cast %get3A_32 : vector<1x1024x1024xf32> to vector<1024x1024xf32>
      %dot_general3A_34 = arith.constant dense<0.000000e+00> : vector<128x1024xf32>
      %dot_general3A_35 = tpu.matmul %mul3A_28, %get3A_33, %dot_general3A_34 {dimension_numbers = #tpu.dot_dimension_numbers<[0], [0], [1], [1], [0, 1, 1, 1], [], []>, transpose_lhs_hint = false} : vector<1024x128xf32>, vector<1024x1024xf32>, vector<128x1024xf32> -> vector<128x1024xf32>
      %get3A_36 = arith.constant 0 : index
      %get3A_37 = arith.constant 0 : index
      %get3A_38 = arith.constant 0 : index
      %get3A_39 = vector.load %arg8[%get3A_36, %get3A_37, %get3A_38] : memref<1x1x1024xf32, #tpu.memory_space<vmem>>, vector<1x1x1024xf32>
      %get3A_40 = vector.shape_cast %get3A_39 : vector<1x1x1024xf32> to vector<1x1024xf32>
      %add3A_41 = vector.broadcast %get3A_40 : vector<1x1024xf32> to vector<128x1024xf32>
      %add3A_42 = arith.addf %dot_general3A_35, %add3A_41 : vector<128x1024xf32>
      %get3A_43 = arith.constant 0 : index
      %get3A_44 = arith.constant 0 : index
      %get3A_45 = vector.load %arg4[%get3A_43, %get3A_44] : memref<128x1xf32, #tpu.memory_space<vmem>>, vector<128x1xf32>
      %mul3A_46 = vector.broadcast %get3A_45 : vector<128x1xf32> to vector<128x1024xf32>
      %mul3A_47 = arith.mulf %add3A_42, %mul3A_46 : vector<128x1024xf32>
      %swap3A = arith.constant 0 : index
      %swap3A_48 = arith.constant 0 : index
      %swap3A_49 = vector.load %arg9[%swap3A, %swap3A_48] : memref<128x1024xf32, #tpu.memory_space<vmem>>, vector<128x1024xf32>
      tpu.vector_store %arg9[%swap3A, %swap3A_48], %mul3A_47 {strides = array<i32>} : memref<128x1024xf32, #tpu.memory_space<vmem>>, vector<128x1024xf32>,
    } else {
    }
    return
  }
  func.func @transform_0(%arg0: i32, %arg1: memref<48xi32, #tpu.memory_space<smem>>, %arg2: memref<1xi32, #tpu.memory_space<smem>>) -> (i32, i32) {
    %get3A = arith.constant 0 : index
    %get3A_0 = memref.load %arg2[%get3A] : memref<1xi32, #tpu.memory_space<smem>>
    %sub3A = arith.constant 1 : i32
    %sub3A_1 = arith.subi %get3A_0, %sub3A : i32
    %min3A = arith.minsi %arg0, %sub3A_1 : i32
    %c0_i32 = arith.constant 0 : i32
    %c0_i32_2 = arith.constant 0 : i32
    return %min3A, %c0_i32 : i32, i32
  }
  func.func @transform_1(%arg0: i32, %arg1: memref<48xi32, #tpu.memory_space<smem>>, %arg2: memref<1xi32, #tpu.memory_space<smem>>) -> (i32, i32) {
    %get3A = arith.constant 0 : index
    %get3A_0 = memref.load %arg2[%get3A] : memref<1xi32, #tpu.memory_space<smem>>
    %sub3A = arith.constant 1 : i32
    %sub3A_1 = arith.subi %get3A_0, %sub3A : i32
    %min3A = arith.minsi %arg0, %sub3A_1 : i32
    %c0_i32 = arith.constant 0 : i32
    %c0_i32_2 = arith.constant 0 : i32
    return %min3A, %c0_i32 : i32, i32
  }
  func.func @transform_2(%arg0: i32, %arg1: memref<48xi32, #tpu.memory_space<smem>>, %arg2: memref<1xi32, #tpu.memory_space<smem>>) -> (i32, i32, i32) {
    %get3A = arith.index_cast %arg0 : i32 to index
    %get3A_0 = memref.load %arg1[%get3A] : memref<48xi32, #tpu.memory_space<smem>>
    %c0_i32 = arith.constant 0 : i32
    %c0_i32_1 = arith.constant 0 : i32
    %c0_i32_2 = arith.constant 0 : i32
    return %get3A_0, %c0_i32, %c0_i32_1 : i32, i32, i32
  }
  func.func @transform_3(%arg0: i32, %arg1: memref<48xi32, #tpu.memory_space<smem>>, %arg2: memref<1xi32, #tpu.memory_space<smem>>) -> (i32, i32, i32) {
    %get3A = arith.index_cast %arg0 : i32 to index
    %get3A_0 = memref.load %arg1[%get3A] : memref<48xi32, #tpu.memory_space<smem>>
    %c0_i32 = arith.constant 0 : i32
    %c0_i32_1 = arith.constant 0 : i32
    %c0_i32_2 = arith.constant 0 : i32
    return %get3A_0, %c0_i32, %c0_i32_1 : i32, i32, i32
  }
  func.func @transform_4(%arg0: i32, %arg1: memref<48xi32, #tpu.memory_space<smem>>, %arg2: memref<1xi32, #tpu.memory_space<smem>>) -> (i32, i32, i32) {
    %get3A = arith.index_cast %arg0 : i32 to index
    %get3A_0 = memref.load %arg1[%get3A] : memref<48xi32, #tpu.memory_space<smem>>
    %c0_i32 = arith.constant 0 : i32
    %c0_i32_1 = arith.constant 0 : i32
    %c0_i32_2 = arith.constant 0 : i32
    return %get3A_0, %c0_i32, %c0_i32_1 : i32, i32, i32
  }
  func.func @transform_5(%arg0: i32, %arg1: memref<48xi32, #tpu.memory_space<smem>>, %arg2: memref<1xi32, #tpu.memory_space<smem>>) -> (i32, i32, i32) {
    %get3A = arith.index_cast %arg0 : i32 to index
    %get3A_0 = memref.load %arg1[%get3A] : memref<48xi32, #tpu.memory_space<smem>>
    %c0_i32 = arith.constant 0 : i32
    %c0_i32_1 = arith.constant 0 : i32
    %c0_i32_2 = arith.constant 0 : i32
    return %get3A_0, %c0_i32, %c0_i32_1 : i32, i32, i32
  }
  func.func @transform_6(%arg0: i32, %arg1: memref<48xi32, #tpu.memory_space<smem>>, %arg2: memref<1xi32, #tpu.memory_space<smem>>) -> (i32, i32) {
    %c0_i32 = arith.constant 0 : i32
    %c0_i32_0 = arith.constant 0 : i32
    return %arg0, %c0_i32 : i32, i32
  }
}

module attributes {stable_mosaic.version = 14 : i64} {
  func.func @_add_body(%arg0: i32, %arg1: memref<256x1024xf32, #tpu.memory_space<vmem>>, %arg2: memref<256x1024xf32, #tpu.memory_space<vmem>>, %arg3: memref<256x1024xf32, #tpu.memory_space<vmem>>) attributes {dimension_semantics = [#tpu.dimension_semantics<arbitrary>], iteration_bounds = array<i64: 8>, scalar_prefetch = 0 : i64, scratch_operands = 0 : i64, tpu.core_type = #tpu.core_type<tc>, window_params = [{transform_indices = @transform_0, window_bounds = array<i64: 256, 1024>}, {transform_indices = @transform_1, window_bounds = array<i64: 256, 1024>}, {transform_indices = @transform_2, window_bounds = array<i64: 256, 1024>}]} {
    %get3A = arith.constant 0 : index
    %get3A_0 = arith.constant 0 : index
    %get3A_1 = vector.load %arg1[%get3A, %get3A_0] : memref<256x1024xf32, #tpu.memory_space<vmem>>, vector<256x1024xf32>
    %get3A_2 = arith.constant 0 : index
    %get3A_3 = arith.constant 0 : index
    %get3A_4 = vector.load %arg2[%get3A_2, %get3A_3] : memref<256x1024xf32, #tpu.memory_space<vmem>>, vector<256x1024xf32>
    %add3A = arith.addf %get3A_1, %get3A_4 : vector<256x1024xf32>
    %swap3A = arith.constant 0 : index
    %swap3A_5 = arith.constant 0 : index
    %swap3A_6 = vector.load %arg3[%swap3A, %swap3A_5] : memref<256x1024xf32, #tpu.memory_space<vmem>>, vector<256x1024xf32>
    tpu.vector_store %arg3[%swap3A, %swap3A_5], %add3A {strides = array<i32>} : memref<256x1024xf32, #tpu.memory_space<vmem>>, vector<256x1024xf32>,
    return
  }
  func.func @transform_0(%arg0: i32) -> (i32, i32) {
    %c0_i32 = arith.constant 0 : i32
    %c0_i32_0 = arith.constant 0 : i32
    return %arg0, %c0_i32 : i32, i32
  }
  func.func @transform_1(%arg0: i32) -> (i32, i32) {
    %c0_i32 = arith.constant 0 : i32
    %c0_i32_0 = arith.constant 0 : i32
    return %arg0, %c0_i32 : i32, i32
  }
  func.func @transform_2(%arg0: i32) -> (i32, i32) {
    %c0_i32 = arith.constant 0 : i32
    %c0_i32_0 = arith.constant 0 : i32
    return %arg0, %c0_i32 : i32, i32
  }
}

</mosaic_0001>

<sc_bundles>
// kernel: kernel.10.cloned.1.call-start
scs
__scs_entry_jumppad:
0x0: {  	(pc) =	sbr.rel $0x88, $3  }
0x1: {  	(tag) =	ssettag $0x0;
	lr =	simm.s32 $0x1  }
0x2: {  	[smem:$0x3F9B] =	sst lr;
	_ =	strace $0xD0000000  }
0x3: {  	_ = 	snop  }
0x4: {  	_ = 	snop  }
0x5: {  	_ = 	snop  }
0x6: {  	_ = 	snop  }
0x7: {  	_ = 	snop  }
__scs_overlays_trampoline_lowered:
0x8: {  	[smem:$0x3FAA] =	sst s0  }
0x9: {  	[smem:$0x3FAB] =	sst s1  }
0xa: {  	[smem:$0x3FAC] =	sst s2  }
0xb: {  	[smem:$0x3FAD] =	sst s3  }
0xc: {  	[smem:$0x3FAE] =	sst s4  }
0xd: {  	[smem:$0x3FAF] =	sst s5  }
0xe: {  	[smem:$0x3FB0] =	sst s6  }
0xf: {  	[smem:$0x3FB1] =	sst s7  }
0x10: {  	[smem:$0x3FB2] =	sst s8  }
0x11: {  	[smem:$0x3FB3] =	sst s9;
	s0 =	simm.s32 @!p0 $0x0  }
0x12: {  	s1 =	sld [smem:$0x3F99];
	s0 =	simm.s32 @p0 $0x1  }
0x13: {  	[smem:$0x3FB4] =	sst s0;
	s0 =	simm.s32 @!p1 $0x0  }
0x14: {  	s2 =	sld [smem:$0x3F98];
	s0 =	simm.s32 @p1 $0x1  }
0x15: {  	[smem:$0x3FB5] =	sst s0;
	s0 =	simm.s32 @!p2 $0x0  }
0x16: {  	s3 =	sld [smem:$0x3FDB];
	s0 =	simm.s32 @p2 $0x1  }
0x17: {  	s4 =	simm.s32 $0x1BF5;
	[smem:$0x3FB7] =	sst s0  }
0x18: {  	s0 =	sld [smem:$0x3F9A];
	_ =	swait.ge [sflag:s4], $0x0  }
0x19: {  	s7 =	sld [smem:$0x3F9B]  }
0x1a: {  	s8 =	sadd.s32 $0xFFFFE003, lr  }
0x1b: {  	s9 =	sadd.s32 $0xFFFFFEF7, lr;
	s5 =	simm.s32 $0xFFFFFFFF;
	p2 =	slt.u32 s8, $0xFFFFF086  }
0x1c: {  	p1 =	slt.u32 s9, $0xF7A;
	s5 =	simm.s32 @!p2 $0x0  }
0x1d: {  	s5 =	simm.s32 @p1 $0x1;
	p0 =	seq.s32 s7, s2  }
0x1e: {  	s7 =	smul.u32 @!p0 $0xF7A, s2;
	p2 =	seq.s32 @!p0 s5, $0x0  }
0x1f: {  	s9 =	smul.u32 $0xF7A, s1;
	s8 =	simm.s32 @!p0 $0x1BF5;
	p2 =	por !p2, p0  }
0x20: {  	[sflag:s8] =	ssyncset.s32 @!p0 $0xFFFFF086;
	s6 =	sadd.s32 @!p0 s3, s7;
	s7 =	simm.s32 @!p0 $0x108  }
0x21: {  	s3 =	sadd.s32 s3, s9;
	s6 =	sadd.s32 @!p0 $0x88, s6;
	s7 =	simm.s32 @p2 $0x1082  }
0x22: {  	[simem:s7], [sflag:s8] =	dma.local @!p0 [hbm:s6], $0xF7A  }
0x23: {  	s9 =	sor.u32 $0xD0000000, s2;
	s6 =	simm.s32 $0x108;
	_ =	swait.ge @!p0 [sflag:s8], $0x0  }
0x24: {  	s3 =	sadd.s32 $0x88, s3;
	s6 =	simm.s32 @!p1 $0x1082;
	[sflag:s4] =	ssyncset.s32 $0xFFFFF086  }
0x25: {  	[simem:s6], [sflag:s4] =	dma.local [hbm:s3], $0xF7A  }
0x26: {  	[smem:$0x3F9B] =	sst s1;
	(tag) =	ssettag s2;
	_ =	strace s9  }
0x27: {  	s1 =	sld [smem:$0x3FAB]  }
0x28: {  	s2 =	sld [smem:$0x3FAC]  }
0x29: {  	s4 =	sld [smem:$0x3FAE]  }
0x2a: {  	p0 =	seq.s32 s5, $0x0;
	s5 =	sld [smem:$0x3FAF]  }
0x2b: {  	s6 =	sld [smem:$0x3FB0]  }
0x2c: {  	s7 =	sld [smem:$0x3FB1]  }
0x2d: {  	s3 =	simm.s32 $0x108;
	s8 =	sld [smem:$0x3FB2]  }
0x2e: {  	s3 =	simm.s32 @!p0 $0x1082;
	s9 =	sld [smem:$0x3FB3]  }
0x2f: {  	lr =	sadd.s32 s0, s3;
	s0 =	sld [smem:$0x3FAA]  }
0x30: {  	s3 =	sld [smem:$0x3FAD]  }
0x31: {  	[smem:$0x3FB6] =	sst s10  }
0x32: {  	s10 =	sld [smem:$0x3FB4];
	_ =	sdelay $0x3  }
0x33: {  	p0 =	seq.s32 s10, $0x1;
	s10 =	sld [smem:$0x3FB6];
	_ =	sdelay $0x3  }
0x34: {  	[smem:$0x3FB6] =	sst s10  }
0x35: {  	s10 =	sld [smem:$0x3FB5];
	_ =	sdelay $0x3  }
0x36: {  	p1 =	seq.s32 s10, $0x1;
	s10 =	sld [smem:$0x3FB6];
	_ =	sdelay $0x3  }
0x37: {  	[smem:$0x3FB6] =	sst s10  }
0x38: {  	s10 =	sld [smem:$0x3FB7]  }
0x39: {  	_ = 	snop;
	(pc) =	sbr.ind lr, $3  }
0x3a: {  	_ = 	snop  }
0x3b: {  	_ = 	snop  }
0x3c: {  	p2 =	seq.s32 s10, $0x1;
	s10 =	sld [smem:$0x3FB6]  }
0x3d: {  	_ =	shalt  }
0x3e: {  	_ =	shalt  }
0x3f: {  	_ =	shalt  }
0x40: {  	_ =	shalt  }
0x41: {  	_ =	shalt  }
0x42: {  	_ =	shalt  }
0x43: {  	_ =	shalt  }
0x44: {  	_ =	shalt  }
0x45: {  	_ =	shalt  }
0x46: {  	_ =	shalt  }
0x47: {  	_ =	shalt  }
0x48: {  	_ =	shalt  }
0x49: {  	_ =	shalt  }
0x4a: {  	_ =	shalt  }
0x4b: {  	_ =	shalt  }
0x4c: {  	_ =	shalt  }
0x4d: {  	_ =	shalt  }
0x4e: {  	_ =	shalt  }
0x4f: {  	_ =	shalt  }
0x50: {  	_ =	shalt  }
0x51: {  	_ =	shalt  }
0x52: {  	_ =	shalt  }
0x53: {  	_ =	shalt  }
0x54: {  	_ =	shalt  }
0x55: {  	_ =	shalt  }
0x56: {  	_ =	shalt  }
0x57: {  	_ =	shalt  }
0x58: {  	_ =	shalt  }
0x59: {  	_ =	shalt  }
0x5a: {  	_ =	shalt  }
0x5b: {  	_ =	shalt  }
0x5c: {  	_ =	shalt  }
0x5d: {  	_ =	shalt  }
0x5e: {  	_ =	shalt  }
0x5f: {  	_ =	shalt  }
0x60: {  	_ =	shalt  }
0x61: {  	_ =	shalt  }
0x62: {  	_ =	shalt  }
0x63: {  	_ =	shalt  }
0x64: {  	_ =	shalt  }
0x65: {  	_ =	shalt  }
0x66: {  	_ =	shalt  }
0x67: {  	_ =	shalt  }
0x68: {  	_ =	shalt  }
0x69: {  	_ =	shalt  }
0x6a: {  	_ =	shalt  }
0x6b: {  	_ =	shalt  }
0x6c: {  	_ =	shalt  }
0x6d: {  	_ =	shalt  }
0x6e: {  	_ =	shalt  }
0x6f: {  	_ =	shalt  }
0x70: {  	_ =	shalt  }
0x71: {  	_ =	shalt  }
0x72: {  	_ =	shalt  }
0x73: {  	_ =	shalt  }
0x74: {  	_ =	shalt  }
0x75: {  	_ =	shalt  }
0x76: {  	_ =	shalt  }
0x77: {  	_ =	shalt  }
0x78: {  	_ =	shalt  }
0x79: {  	_ =	shalt  }
0x7a: {  	_ =	shalt  }
0x7b: {  	_ =	shalt  }
0x7c: {  	_ =	shalt  }
0x7d: {  	_ =	shalt  }
0x7e: {  	_ =	shalt  }
0x7f: {  	_ =	shalt  }
0x80: {  	_ =	shalt  }
0x81: {  	_ =	shalt  }
0x82: {  	_ =	shalt  }
0x83: {  	_ =	shalt  }
0x84: {  	_ =	shalt  }
0x85: {  	_ =	shalt  }
0x86: {  	_ =	shalt  }
0x87: {  	_ =	shalt  }
.Lfunc_end0:
.L_simem_size_0:
called_computation.1_lowered:
.L_overlay_start_0:
0x88: {  	s2 =	sld [smem:$0x3FD9]  }
0x89: {  	s3 =	sld [smem:$0x3FFE];
	_ =	sdelay $0x1  }
0x8a: {  	s1 =	srdreg.scid  }
0x8b: {  	s0 =	sand.u32 $0x1, s1  }
0x8c: {  	s17 =	sshll.u32 s0, $0xA;
	s2 =	sadd.s32 s3, s2  }
0x8d: {  	s2 =	sadd.s32 s2, s17  }
0x8e: {  	[smem:$0x3FC2] =	sst s2  }
0x8f: {  	_ = 	snop  }
0x90: {  	s2 =	sld [smem:$0x3FD0];
	(tm) =	ssettm $0x1  }
0x91: {  	s18 =	sld [smem:$0x3FFB];
	_ =	sdelay $0x3  }
0x92: {  	_ =	strace s18  }
0x93: {  	s3 =	sld [smem:$0x3FFC];
	_ =	sdelay $0x3  }
0x94: {  	_ =	strace s3  }
0x95: {  	s3 =	sld [smem:$0x3FFD];
	_ =	sdelay $0x3  }
0x96: {  	_ =	strace s3  }
0x97: {  	_ =	strace $0x8FFFFFFF  }
0x98: {  	s19 =	sld [smem:$0x3FDB];
	_ =	sdelay $0x1  }
0x99: {  	s4 =	simm.s32 $_scs_section_size  }
0x9a: {  	s5 =	simm.s32 $_size__tile_overlayer_lowered;
	s6 =	simm.s32 $_tile_overlayer_lowered  }
0x9b: {  	s22 =	simm.s32 $0x1BFF;
	s21 =	sshll.u32 s6, $0x1;
	s3 =	sadd.s32 s4, s19  }
0x9c: {  	s7 =	simm.s32 $0x0;
	s20 =	sshll.u32 s5, $0x1;
	s5 =	sadd.s32 s21, s3  }
0x9d: {  	[timem:s7], [sflag:s22] =	dma.local [hbm:s5], s20  }
0x9e: {  	_ =	swait.ge [sflag:s22], s20  }
0x9f: {  	s4 =	ssub.s32 $0x0, s20;
	[sflag:s22] =	ssyncset.done $0x0  }
0xa0: {  	[sflag:s22] =	ssyncadd.s32 s4;
	_ =	sdelay $0x1  }
0xa1: {  	s23 =	simm.s32 $0x1B8B  }
0xa2: {  	_ =	swait.ge [sflag:s23], $0x1  }
0xa3: {  	[sflag:s23] =	ssyncset.done $0x0  }
0xa4: {  	s25 =	simm.s32 $0x1B8E;
	s24 =	sld [smem:$0x3FFE];
	[sflag:s23] =	ssyncadd.s32 $0xFFFFFFFF  }
0xa5: {  	s26 =	simm.s32 $execute0_lowered;
	[smem:$0x3FD2] =	sst s25  }
0xa6: {  	s5 =	sshll.u32 s26, $0x1;
	_ =	strace $0x80000049;
	[dreg:$0x1] =	wrdreg $0xFFFFFFFF  }
0xa7: {  	s28 =	simm.s32 $_size_execute0_lowered;
	s3 =	sadd.s32 s3, s5;
	[dreg:$0x0] =	wrdreg $0x0  }
0xa8: {  	s5 =	sshll.u32 s28, $0x1;
	[dreg:$0x2] =	wrdreg s3  }
0xa9: {  	[dreg:$0x3] =	wrdreg s5  }
0xaa: {  	[dreg:$0x4] =	wrdreg $0xC0  }
0xab: {  	_ =	task [dreg:s7], $0x5FFFF  }
0xac: {  	[dreg:$0x1] =	wrdreg $0xFFFFFFFF  }
0xad: {  	[dreg:$0x0] =	wrdreg $0x60  }
0xae: {  	[dreg:$0x2] =	wrdreg s24  }
0xaf: {  	[dreg:$0x3] =	wrdreg s2  }
0xb0: {  	[dreg:$0x4] =	wrdreg $0x9  }
0xb1: {  	_ =	task.clear_ibuf [dreg:s7], $0x5FFFF;
	_ =	strace $0x90000049  }
0xb2: {  	s29 =	simm.s32 $0x9;
	_ =	strace $0x8000004B  }
0xb3: {  	_ =	swait.ge [sflag:s29], $0x1  }
0xb4: {  	[sflag:s29] =	ssyncadd.s32 $0xFFFFFFFF  }
0xb5: {  	_ =	strace $0x9000004B  }
0xb6: {  	_ =	sfence  }
0xb7: {  	s30 =	sld [smem:$0x0];
	_ =	sdelay $0x2  }
0xb8: {  	s31 =	sshll.u32 s1, $0xD;
	s1 =	sshrl.u32 s1, $0x2  }
0xb9: {  	s3 =	sand.u32 $0x4000, s31;
	s1 =	sadd.s32 s1, s30  }
0xba: {  	s0 =	sor.u32 s3, s0;
	s1 =	sshll.u32 s1, $0x11  }
0xbb: {  	s0 =	sor.u32 s1, s0  }
0xbc: {  	s0 =	sadd.s32 $0x8F2B, s0  }
0xbd: {  	[sflag:s0] =	ssyncadd.remote.s32 $0x1  }
0xbe: {  	_ =	sfence.sel $0xFFFF  }
0xbf: {  	[dreg:$0x0] =	wrdreg $0xFFFFFFFF;
	(pc) =	sbr.abs _section_cstart, $3  }
0xc0: {  	[dreg:$0x1] =	wrdreg $0xFFFFFFFF  }
0xc1: {  	_ =	task.clear_ibuf [dreg:s7], $0x2FFFF;
	_ =	strace $0x9FFFFFFF  }
0xc2: {  	(tm) =	ssettm $0x7FFFFFFF  }
0xc3: {  	_ =	shalt  }
tec
execute0_lowered:
.L_overlay_start_1:
0x0: {  	(tag) =	ssettag $0x1  }
0x1: {  	s0 =	rddreg [dreg:$0x0]  }
0x2: {  	s1 =	rddreg [dreg:$0x1]  }
0x3: {  	s2 =	srdreg.scid;
	s4 =	stileid.u32;
	s26 =	simm.s32 $0x80  }
0x4: {  	s18 =	simm.s32 $0x1;
	s19 =	simm.s32 $0x2;
	s28 =	simm.s32 $0x3100  }
0x5: {  	s29 =	simm.s32 $0x3900;
	s30 =	simm.s32 $0x4100;
	s31 =	simm.s32 $0x4900  }
0x6: {  	s11 =	simm.s32 $0x6900;
	s12 =	simm.s32 $0x7100;
	s13 =	simm.s32 $0x7900  }
0x7: {  	s14 =	simm.s32 $0x8900;
	s15 =	simm.s32 $0x9100;
	s16 =	simm.s32 $0x9900  }
0x8: {  	s17 =	simm.s32 $0xA100;
	s3 =	sand.u32 $0x1, s2;
	s2 =	simm.s32 $0x0  }
0x9: {  	s4 =	sshll.u32 s4, $0x7;
	s8 =	sadd.s32 $0xA00, s0;
	s5 =	sshll.u32 s3, $0x6  }
0xa: {  	[smem:$0x7FF] =	sst s2;
	s6 =	ssub.s32 $0x2, s3;
	s3 =	sadd.s32 $0xC0E00, s0  }
0xb: {  	s4 =	sor.u32 s5, s4;
	_ =	strace $0x8000004A;
	s7 =	sshrl.u32 s6, $0x1  }
0xc: {  	[dreg:$0x9] =	wrdreg s26;
	s26 =	simm.s32 $0x2900;
	s5 =	sshrl.u32 s4, $0x3  }
0xd: {  	s7 =	ssub.s32 s6, s7;
	s23 =	sshll.u32 s4, $0x7;
	s4 =	sadd.s32 $0xC0F00, s0  }
0xe: {  	s6 =	sadd.s32 $0xC1100, s0;
	s5 =	sadd.s32 s5, s0;
	s24 =	sadd.s32 s1, s23  }
0xf: {  	s9 =	sadd.s32 s8, s23;
	s10 =	sor.u32 $0x1000, s23;
	s7 =	smax.u32 s7, $0x1  }
0x10: {  	s23 =	simm.s32 $0x1900;
	s22 =	sadd.s32 $0x600, s5;
	[dreg:$0x5] =	wrdreg s24  }
0x11: {  	s5 =	sadd.s32 $0x800, s5;
	[dreg:$0x6] =	wrdreg s9;
	s1 =	sadd.s32 s1, s10  }
0x12: {  	s25 =	sadd.s32 s8, s10;
	s8 =	simm.s32 $0x3;
	[dreg:$0x3] =	wrdreg s22  }
0x13: {  	v2 =	vlaneseq.u32;
	s24 =	simm.s32 $0x2100;
	s10 =	simm.s32 $0x6100;
	[dreg:$0x4] =	wrdreg s5  }
0x14: {  	vm0 =	vmmov $0xffff;
	v1 =	vshrl.u32 v2, $0x3;
	s9 =	simm.s32 $0xA900;
	s5 =	sadd.s32 $0xC1000, s0;
	[dreg:$0x7] =	wrdreg s1  }
0x15: {  	v0 =	vand.u32 $0x7, v2;
	v2 =	vor.u32 $0x8, v2;
	v1 =	vmul.u32 $0x8, v1;
	[dreg:$0x8] =	wrdreg s25;
	s25 =	simm.s32 $0x100;
	s22 =	simm.s32 $0x1100  }
.LBB2_1:
0x16: {  	s20 =	rddreg [dreg:$0x3]  }
0x17: {  	[tilespmem:s2], [sflag:$0x3] =	stream.linear.gather [hbm4b:s20+s2], $0x40, $0x38;
	[tilespmem:$0x10100] =	vst v63  }
0x18: {  	_ =	swait.ge [sflag:s8], $0x40  }
0x19: {  	s1 =	rddreg [dreg:$0x4];
	[sflag:s8] =	ssyncset.done $0x0  }
0x1a: {  	s21 =	rddreg [dreg:$0x9];
	[sflag:s8] =	ssyncadd.s32 $0xFFFFFFC0  }
0x1b: {  	[tilespmem:s21], [sflag:$0x3] =	stream.linear.gather [hbm4b:s1+s2], $0x40, $0x38;
	[tilespmem:$0x10100] =	vst v63  }
0x1c: {  	_ =	swait.ge [sflag:s8], $0x40  }
0x1d: {  	[sflag:s8] =	ssyncset.done $0x0  }
0x1e: {  	[sflag:s8] =	ssyncadd.s32 $0xFFFFFFC0  }
0x1f: {  	v3 =	vld [tilespmem:$0x0];
	_ =	sdelay $0x4  }
0x20: {  	v4 =	vshll.u32 v3, $0x3  }
0x21: {  	v3 =	vand.u32 $0x7, v3;
	v4 =	vand.u32 $0xFFFFFFC0, v4  }
0x22: {  	v3 =	vor.u32 v3, v4  }
0x23: {  	v4 =	vperm.xlane v3, v0;
	_ =	sdelay $0x1  }
0x24: {  	v4 =	vadd.s32 v1, v4;
	_ =	sdelay $0x4  }
0x25: {  	[tilespmem:s25], [sflag:$0x1] =	stream.indirect_vreg.gather [hbm4b:s3+s2], $0x80, v4, vm0, $0xb8;
	[tilespmem:$0x10100] =	vst v63  }
0x26: {  	s21 =	simm.s32 $0x900;
	v3 =	vperm.xlane v3, v2  }
0x27: {  	[tilespmem:s21], [sflag:$0x1] =	stream.indirect_vreg.gather [hbm4b:s4+s2], $0x80, v4, vm0, $0xb8;
	[tilespmem:$0x10100] =	vst v63  }
0x28: {  	v3 =	vadd.s32 v1, v3  }
0x29: {  	[tilespmem:s22], [sflag:$0x1] =	stream.indirect_vreg.gather [hbm4b:s5+s2], $0x80, v4, vm0, $0xb8;
	[tilespmem:$0x10100] =	vst v63  }
0x2a: {  	_ = 	snop  }
0x2b: {  	[tilespmem:s23], [sflag:$0x1] =	stream.indirect_vreg.gather [hbm4b:s6+s2], $0x80, v4, vm0, $0xb8;
	[tilespmem:$0x10100] =	vst v63  }
0x2c: {  	_ = 	snop  }
0x2d: {  	[tilespmem:s24], [sflag:$0x1] =	stream.indirect_vreg.gather [hbm4b:s3+s2], $0x80, v3, vm0, $0xb8;
	[tilespmem:$0x10100] =	vst v63  }
0x2e: {  	_ = 	snop  }
0x2f: {  	[tilespmem:s26], [sflag:$0x1] =	stream.indirect_vreg.gather [hbm4b:s4+s2], $0x80, v3, vm0, $0xb8;
	[tilespmem:$0x10100] =	vst v63  }
0x30: {  	_ = 	snop  }
0x31: {  	[tilespmem:s28], [sflag:$0x1] =	stream.indirect_vreg.gather [hbm4b:s5+s2], $0x80, v3, vm0, $0xb8;
	[tilespmem:$0x10100] =	vst v63  }
0x32: {  	_ = 	snop  }
0x33: {  	[tilespmem:s29], [sflag:$0x1] =	stream.indirect_vreg.gather [hbm4b:s6+s2], $0x80, v3, vm0, $0xb8;
	[tilespmem:$0x10100] =	vst v63  }
0x34: {  	v3 =	vld [tilespmem:$0x10];
	_ =	sdelay $0x4  }
0x35: {  	v57 =	vshll.u32 v3, $0x3  }
0x36: {  	v3 =	vand.u32 $0x7, v3;
	v4 =	vand.u32 $0xFFFFFFC0, v57  }
0x37: {  	v3 =	vor.u32 v3, v4  }
0x38: {  	v4 =	vperm.xlane v3, v0;
	_ =	sdelay $0x1  }
0x39: {  	v4 =	vadd.s32 v1, v4;
	_ =	sdelay $0x4  }
0x3a: {  	[tilespmem:s30], [sflag:$0x1] =	stream.indirect_vreg.gather [hbm4b:s3+s2], $0x80, v4, vm0, $0xb8;
	[tilespmem:$0x10100] =	vst v63  }
0x3b: {  	v3 =	vperm.xlane v3, v2  }
0x3c: {  	[tilespmem:s31], [sflag:$0x1] =	stream.indirect_vreg.gather [hbm4b:s4+s2], $0x80, v4, vm0, $0xb8;
	[tilespmem:$0x10100] =	vst v63  }
0x3d: {  	s0 =	simm.s32 $0x5100;
	v3 =	vadd.s32 v1, v3  }
0x3e: {  	[tilespmem:s0], [sflag:$0x1] =	stream.indirect_vreg.gather [hbm4b:s5+s2], $0x80, v4, vm0, $0xb8;
	[tilespmem:$0x10100] =	vst v63  }
0x3f: {  	s1 =	simm.s32 $0x5900  }
0x40: {  	[tilespmem:s1], [sflag:$0x1] =	stream.indirect_vreg.gather [hbm4b:s6+s2], $0x80, v4, vm0, $0xb8;
	[tilespmem:$0x10100] =	vst v63  }
0x41: {  	_ = 	snop  }
0x42: {  	[tilespmem:s10], [sflag:$0x1] =	stream.indirect_vreg.gather [hbm4b:s3+s2], $0x80, v3, vm0, $0xb8;
	[tilespmem:$0x10100] =	vst v63  }
0x43: {  	_ = 	snop  }
0x44: {  	[tilespmem:s11], [sflag:$0x1] =	stream.indirect_vreg.gather [hbm4b:s4+s2], $0x80, v3, vm0, $0xb8;
	[tilespmem:$0x10100] =	vst v63  }
0x45: {  	_ = 	snop  }
0x46: {  	[tilespmem:s12], [sflag:$0x1] =	stream.indirect_vreg.gather [hbm4b:s5+s2], $0x80, v3, vm0, $0xb8;
	[tilespmem:$0x10100] =	vst v63  }
0x47: {  	_ = 	snop  }
0x48: {  	[tilespmem:s13], [sflag:$0x1] =	stream.indirect_vreg.gather [hbm4b:s6+s2], $0x80, v3, vm0, $0xb8;
	[tilespmem:$0x10100] =	vst v63  }
0x49: {  	v3 =	vld [tilespmem:$0x80];
	_ =	sdelay $0x4  }
0x4a: {  	v58 =	vshll.u32 v3, $0x3  }
0x4b: {  	v3 =	vand.u32 $0x7, v3;
	v4 =	vand.u32 $0xFFFFFFC0, v58  }
0x4c: {  	v3 =	vor.u32 v3, v4  }
0x4d: {  	v4 =	vperm.xlane v3, v0;
	_ =	sdelay $0x1  }
0x4e: {  	v4 =	vadd.s32 v1, v4;
	_ =	sdelay $0x3  }
0x4f: {  	s0 =	simm.s32 $0x8100  }
0x50: {  	[tilespmem:s0], [sflag:$0x2] =	stream.indirect_vreg.gather [hbm4b:s3+s2], $0x80, v4, vm0, $0xb8;
	[tilespmem:$0x10100] =	vst v63  }
0x51: {  	v3 =	vperm.xlane v3, v2  }
0x52: {  	[tilespmem:s14], [sflag:$0x2] =	stream.indirect_vreg.gather [hbm4b:s4+s2], $0x80, v4, vm0, $0xb8;
	[tilespmem:$0x10100] =	vst v63  }
0x53: {  	v3 =	vadd.s32 v1, v3  }
0x54: {  	[tilespmem:s15], [sflag:$0x2] =	stream.indirect_vreg.gather [hbm4b:s5+s2], $0x80, v4, vm0, $0xb8;
	[tilespmem:$0x10100] =	vst v63  }
0x55: {  	_ = 	snop  }
0x56: {  	[tilespmem:s16], [sflag:$0x2] =	stream.indirect_vreg.gather [hbm4b:s6+s2], $0x80, v4, vm0, $0xb8;
	[tilespmem:$0x10100] =	vst v63  }
0x57: {  	_ = 	snop  }
0x58: {  	[tilespmem:s17], [sflag:$0x2] =	stream.indirect_vreg.gather [hbm4b:s3+s2], $0x80, v3, vm0, $0xb8;
	[tilespmem:$0x10100] =	vst v63  }
0x59: {  	_ = 	snop  }
0x5a: {  	[tilespmem:s9], [sflag:$0x2] =	stream.indirect_vreg.gather [hbm4b:s4+s2], $0x80, v3, vm0, $0xb8;
	[tilespmem:$0x10100] =	vst v63  }
0x5b: {  	s20 =	simm.s32 $0xB100  }
0x5c: {  	[tilespmem:s20], [sflag:$0x2] =	stream.indirect_vreg.gather [hbm4b:s5+s2], $0x80, v3, vm0, $0xb8;
	[tilespmem:$0x10100] =	vst v63  }
0x5d: {  	s20 =	simm.s32 $0xB900  }
0x5e: {  	[tilespmem:s20], [sflag:$0x2] =	stream.indirect_vreg.gather [hbm4b:s6+s2], $0x80, v3, vm0, $0xb8;
	[tilespmem:$0x10100] =	vst v63  }
0x5f: {  	v3 =	vld [tilespmem:$0x90];
	_ =	sdelay $0x4  }
0x60: {  	v59 =	vshll.u32 v3, $0x3  }
0x61: {  	v3 =	vand.u32 $0x7, v3;
	v4 =	vand.u32 $0xFFFFFFC0, v59  }
0x62: {  	v3 =	vor.u32 v3, v4  }
0x63: {  	v4 =	vperm.xlane v3, v0;
	_ =	sdelay $0x1  }
0x64: {  	v4 =	vadd.s32 v1, v4;
	_ =	sdelay $0x3  }
0x65: {  	s20 =	simm.s32 $0xC100  }
0x66: {  	[tilespmem:s20], [sflag:$0x2] =	stream.indirect_vreg.gather [hbm4b:s3+s2], $0x80, v4, vm0, $0xb8;
	[tilespmem:$0x10100] =	vst v63  }
0x67: {  	v3 =	vperm.xlane v3, v2;
	s20 =	simm.s32 $0xC900  }
0x68: {  	[tilespmem:s20], [sflag:$0x2] =	stream.indirect_vreg.gather [hbm4b:s4+s2], $0x80, v4, vm0, $0xb8;
	[tilespmem:$0x10100] =	vst v63  }
0x69: {  	v3 =	vadd.s32 v1, v3;
	s20 =	simm.s32 $0xD100  }
0x6a: {  	[tilespmem:s20], [sflag:$0x2] =	stream.indirect_vreg.gather [hbm4b:s5+s2], $0x80, v4, vm0, $0xb8;
	[tilespmem:$0x10100] =	vst v63  }
0x6b: {  	s20 =	simm.s32 $0xD900  }
0x6c: {  	[tilespmem:s20], [sflag:$0x2] =	stream.indirect_vreg.gather [hbm4b:s6+s2], $0x80, v4, vm0, $0xb8;
	[tilespmem:$0x10100] =	vst v63  }
0x6d: {  	s20 =	simm.s32 $0xE100  }
0x6e: {  	[tilespmem:s20], [sflag:$0x2] =	stream.indirect_vreg.gather [hbm4b:s3+s2], $0x80, v3, vm0, $0xb8;
	[tilespmem:$0x10100] =	vst v63  }
0x6f: {  	s20 =	simm.s32 $0xE900  }
0x70: {  	[tilespmem:s20], [sflag:$0x2] =	stream.indirect_vreg.gather [hbm4b:s4+s2], $0x80, v3, vm0, $0xb8;
	[tilespmem:$0x10100] =	vst v63  }
0x71: {  	s20 =	simm.s32 $0xF100  }
0x72: {  	[tilespmem:s20], [sflag:$0x2] =	stream.indirect_vreg.gather [hbm4b:s5+s2], $0x80, v3, vm0, $0xb8;
	[tilespmem:$0x10100] =	vst v63  }
0x73: {  	s20 =	simm.s32 $0xF900  }
0x74: {  	[tilespmem:s20], [sflag:$0x2] =	stream.indirect_vreg.gather [hbm4b:s6+s2], $0x80, v3, vm0, $0xb8;
	[tilespmem:$0x10100] =	vst v63  }
0x75: {  	_ =	swait.ge [sflag:s18], $0x8000  }
0x76: {  	[sflag:s18] =	ssyncset.done $0x0  }
0x77: {  	[sflag:s18] =	ssyncadd.s32 $0xFFFF8000  }
0x78: {  	_ =	swait.ge [sflag:s19], $0x8000  }
0x79: {  	[sflag:s19] =	ssyncset.done $0x0  }
0x7a: {  	s20 =	rddreg [dreg:$0x5];
	[sflag:s19] =	ssyncadd.s32 $0xFFFF8000  }
0x7b: {  	[hbm4b:s20+s2] =	stream.linear.scatter [tilespmem:s25], [sflag:$0x3], $0x8000, $0x38;
	[tilespmem:$0x10100] =	vst v63  }
0x7c: {  	_ =	swait.ge [sflag:s8], $0x8000  }
0x7d: {  	[sflag:s8] =	ssyncset.done $0x0  }
0x7e: {  	s20 =	rddreg [dreg:$0x6];
	[sflag:s8] =	ssyncadd.s32 $0xFFFF8000  }
0x7f: {  	[hbm4b:s20+s2] =	stream.linear.scatter [tilespmem:s0], [sflag:$0x3], $0x8000, $0x38;
	[tilespmem:$0x10100] =	vst v63  }
0x80: {  	_ =	swait.ge [sflag:s8], $0x8000  }
0x81: {  	[sflag:s8] =	ssyncset.done $0x0  }
0x82: {  	[sflag:s8] =	ssyncadd.s32 $0xFFFF8000  }
0x83: {  	v3 =	vld [tilespmem:$0x20];
	_ =	sdelay $0x4  }
0x84: {  	v60 =	vshll.u32 v3, $0x3  }
0x85: {  	v3 =	vand.u32 $0x7, v3;
	v4 =	vand.u32 $0xFFFFFFC0, v60  }
0x86: {  	v3 =	vor.u32 v3, v4  }
0x87: {  	v4 =	vperm.xlane v3, v0;
	_ =	sdelay $0x1  }
0x88: {  	v4 =	vadd.s32 v1, v4;
	_ =	sdelay $0x4  }
0x89: {  	[tilespmem:s25], [sflag:$0x1] =	stream.indirect_vreg.gather [hbm4b:s3+s2], $0x80, v4, vm0, $0xb8;
	[tilespmem:$0x10100] =	vst v63  }
0x8a: {  	v3 =	vperm.xlane v3, v2  }
0x8b: {  	[tilespmem:s21], [sflag:$0x1] =	stream.indirect_vreg.gather [hbm4b:s4+s2], $0x80, v4, vm0, $0xb8;
	[tilespmem:$0x10100] =	vst v63  }
0x8c: {  	v3 =	vadd.s32 v1, v3  }
0x8d: {  	[tilespmem:s22], [sflag:$0x1] =	stream.indirect_vreg.gather [hbm4b:s5+s2], $0x80, v4, vm0, $0xb8;
	[tilespmem:$0x10100] =	vst v63  }
0x8e: {  	_ = 	snop  }
0x8f: {  	[tilespmem:s23], [sflag:$0x1] =	stream.indirect_vreg.gather [hbm4b:s6+s2], $0x80, v4, vm0, $0xb8;
	[tilespmem:$0x10100] =	vst v63  }
0x90: {  	_ = 	snop  }
0x91: {  	[tilespmem:s24], [sflag:$0x1] =	stream.indirect_vreg.gather [hbm4b:s3+s2], $0x80, v3, vm0, $0xb8;
	[tilespmem:$0x10100] =	vst v63  }
0x92: {  	_ = 	snop  }
0x93: {  	[tilespmem:s26], [sflag:$0x1] =	stream.indirect_vreg.gather [hbm4b:s4+s2], $0x80, v3, vm0, $0xb8;
	[tilespmem:$0x10100] =	vst v63  }
0x94: {  	_ = 	snop  }
0x95: {  	[tilespmem:s28], [sflag:$0x1] =	stream.indirect_vreg.gather [hbm4b:s5+s2], $0x80, v3, vm0, $0xb8;
	[tilespmem:$0x10100] =	vst v63  }
0x96: {  	_ = 	snop  }
0x97: {  	[tilespmem:s29], [sflag:$0x1] =	stream.indirect_vreg.gather [hbm4b:s6+s2], $0x80, v3, vm0, $0xb8;
	[tilespmem:$0x10100] =	vst v63  }
0x98: {  	v3 =	vld [tilespmem:$0x30];
	_ =	sdelay $0x4  }
0x99: {  	v61 =	vshll.u32 v3, $0x3  }
0x9a: {  	v3 =	vand.u32 $0x7, v3;
	v4 =	vand.u32 $0xFFFFFFC0, v61  }
0x9b: {  	v3 =	vor.u32 v3, v4  }
0x9c: {  	v4 =	vperm.xlane v3, v0;
	_ =	sdelay $0x1  }
0x9d: {  	v4 =	vadd.s32 v1, v4;
	_ =	sdelay $0x4  }
0x9e: {  	[tilespmem:s30], [sflag:$0x1] =	stream.indirect_vreg.gather [hbm4b:s3+s2], $0x80, v4, vm0, $0xb8;
	[tilespmem:$0x10100] =	vst v63  }
0x9f: {  	v3 =	vperm.xlane v3, v2  }
0xa0: {  	[tilespmem:s31], [sflag:$0x1] =	stream.indirect_vreg.gather [hbm4b:s4+s2], $0x80, v4, vm0, $0xb8;
	[tilespmem:$0x10100] =	vst v63  }
0xa1: {  	s21 =	simm.s32 $0x5100;
	v3 =	vadd.s32 v1, v3  }
0xa2: {  	[tilespmem:s21], [sflag:$0x1] =	stream.indirect_vreg.gather [hbm4b:s5+s2], $0x80, v4, vm0, $0xb8;
	[tilespmem:$0x10100] =	vst v63  }
0xa3: {  	_ = 	snop  }
0xa4: {  	[tilespmem:s1], [sflag:$0x1] =	stream.indirect_vreg.gather [hbm4b:s6+s2], $0x80, v4, vm0, $0xb8;
	[tilespmem:$0x10100] =	vst v63  }
0xa5: {  	_ = 	snop  }
0xa6: {  	[tilespmem:s10], [sflag:$0x1] =	stream.indirect_vreg.gather [hbm4b:s3+s2], $0x80, v3, vm0, $0xb8;
	[tilespmem:$0x10100] =	vst v63  }
0xa7: {  	_ = 	snop  }
0xa8: {  	[tilespmem:s11], [sflag:$0x1] =	stream.indirect_vreg.gather [hbm4b:s4+s2], $0x80, v3, vm0, $0xb8;
	[tilespmem:$0x10100] =	vst v63  }
0xa9: {  	_ = 	snop  }
0xaa: {  	[tilespmem:s12], [sflag:$0x1] =	stream.indirect_vreg.gather [hbm4b:s5+s2], $0x80, v3, vm0, $0xb8;
	[tilespmem:$0x10100] =	vst v63  }
0xab: {  	_ = 	snop  }
0xac: {  	[tilespmem:s13], [sflag:$0x1] =	stream.indirect_vreg.gather [hbm4b:s6+s2], $0x80, v3, vm0, $0xb8;
	[tilespmem:$0x10100] =	vst v63  }
0xad: {  	v3 =	vld [tilespmem:$0xA0];
	_ =	sdelay $0x4  }
0xae: {  	v62 =	vshll.u32 v3, $0x3  }
0xaf: {  	v3 =	vand.u32 $0x7, v3;
	v4 =	vand.u32 $0xFFFFFFC0, v62  }
0xb0: {  	v3 =	vor.u32 v3, v4  }
0xb1: {  	v4 =	vperm.xlane v3, v0;
	_ =	sdelay $0x1  }
0xb2: {  	v4 =	vadd.s32 v1, v4;
	_ =	sdelay $0x4  }
0xb3: {  	[tilespmem:s0], [sflag:$0x2] =	stream.indirect_vreg.gather [hbm4b:s3+s2], $0x80, v4, vm0, $0xb8;
	[tilespmem:$0x10100] =	vst v63  }
0xb4: {  	v3 =	vperm.xlane v3, v2  }
0xb5: {  	[tilespmem:s14], [sflag:$0x2] =	stream.indirect_vreg.gather [hbm4b:s4+s2], $0x80, v4, vm0, $0xb8;
	[tilespmem:$0x10100] =	vst v63  }
0xb6: {  	v3 =	vadd.s32 v1, v3  }
0xb7: {  	[tilespmem:s15], [sflag:$0x2] =	stream.indirect_vreg.gather [hbm4b:s5+s2], $0x80, v4, vm0, $0xb8;
	[tilespmem:$0x10100] =	vst v63  }
0xb8: {  	_ = 	snop  }
0xb9: {  	[tilespmem:s16], [sflag:$0x2] =	stream.indirect_vreg.gather [hbm4b:s6+s2], $0x80, v4, vm0, $0xb8;
	[tilespmem:$0x10100] =	vst v63  }
0xba: {  	_ = 	snop  }
0xbb: {  	[tilespmem:s17], [sflag:$0x2] =	stream.indirect_vreg.gather [hbm4b:s3+s2], $0x80, v3, vm0, $0xb8;
	[tilespmem:$0x10100] =	vst v63  }
0xbc: {  	_ = 	snop  }
0xbd: {  	[tilespmem:s9], [sflag:$0x2] =	stream.indirect_vreg.gather [hbm4b:s4+s2], $0x80, v3, vm0, $0xb8;
	[tilespmem:$0x10100] =	vst v63  }
0xbe: {  	s20 =	simm.s32 $0xB100  }
0xbf: {  	[tilespmem:s20], [sflag:$0x2] =	stream.indirect_vreg.gather [hbm4b:s5+s2], $0x80, v3, vm0, $0xb8;
	[tilespmem:$0x10100] =	vst v63  }
0xc0: {  	s21 =	simm.s32 $0xB900  }
0xc1: {  	[tilespmem:s21], [sflag:$0x2] =	stream.indirect_vreg.gather [hbm4b:s6+s2], $0x80, v3, vm0, $0xb8;
	[tilespmem:$0x10100] =	vst v63  }
0xc2: {  	v3 =	vld [tilespmem:$0xB0];
	_ =	sdelay $0x4  }
0xc3: {  	v63 =	vshll.u32 v3, $0x3  }
0xc4: {  	v3 =	vand.u32 $0x7, v3;
	v4 =	vand.u32 $0xFFFFFFC0, v63  }
0xc5: {  	v3 =	vor.u32 v3, v4  }
0xc6: {  	v4 =	vperm.xlane v3, v0;
	_ =	sdelay $0x1  }
0xc7: {  	v4 =	vadd.s32 v1, v4;
	_ =	sdelay $0x3  }
0xc8: {  	s20 =	simm.s32 $0xC100  }
0xc9: {  	[tilespmem:s20], [sflag:$0x2] =	stream.indirect_vreg.gather [hbm4b:s3+s2], $0x80, v4, vm0, $0xb8;
	[tilespmem:$0x10100] =	vst v63  }
0xca: {  	s21 =	simm.s32 $0xC900;
	v3 =	vperm.xlane v3, v2  }
0xcb: {  	[tilespmem:s21], [sflag:$0x2] =	stream.indirect_vreg.gather [hbm4b:s4+s2], $0x80, v4, vm0, $0xb8;
	[tilespmem:$0x10100] =	vst v63  }
0xcc: {  	v3 =	vadd.s32 v1, v3;
	s20 =	simm.s32 $0xD100  }
0xcd: {  	[tilespmem:s20], [sflag:$0x2] =	stream.indirect_vreg.gather [hbm4b:s5+s2], $0x80, v4, vm0, $0xb8;
	[tilespmem:$0x10100] =	vst v63  }
0xce: {  	s21 =	simm.s32 $0xD900  }
0xcf: {  	[tilespmem:s21], [sflag:$0x2] =	stream.indirect_vreg.gather [hbm4b:s6+s2], $0x80, v4, vm0, $0xb8;
	[tilespmem:$0x10100] =	vst v63  }
0xd0: {  	s20 =	simm.s32 $0xE100  }
0xd1: {  	[tilespmem:s20], [sflag:$0x2] =	stream.indirect_vreg.gather [hbm4b:s3+s2], $0x80, v3, vm0, $0xb8;
	[tilespmem:$0x10100] =	vst v63  }
0xd2: {  	s21 =	simm.s32 $0xE900  }
0xd3: {  	[tilespmem:s21], [sflag:$0x2] =	stream.indirect_vreg.gather [hbm4b:s4+s2], $0x80, v3, vm0, $0xb8;
	[tilespmem:$0x10100] =	vst v63  }
0xd4: {  	s20 =	simm.s32 $0xF100  }
0xd5: {  	[tilespmem:s20], [sflag:$0x2] =	stream.indirect_vreg.gather [hbm4b:s5+s2], $0x80, v3, vm0, $0xb8;
	[tilespmem:$0x10100] =	vst v63  }
0xd6: {  	s21 =	simm.s32 $0xF900  }
0xd7: {  	[tilespmem:s21], [sflag:$0x2] =	stream.indirect_vreg.gather [hbm4b:s6+s2], $0x80, v3, vm0, $0xb8;
	[tilespmem:$0x10100] =	vst v63  }
0xd8: {  	_ =	swait.ge [sflag:s18], $0x8000  }
0xd9: {  	[sflag:s18] =	ssyncset.done $0x0  }
0xda: {  	[sflag:s18] =	ssyncadd.s32 $0xFFFF8000  }
0xdb: {  	_ =	swait.ge [sflag:s19], $0x8000  }
0xdc: {  	[sflag:s19] =	ssyncset.done $0x0  }
0xdd: {  	s1 =	rddreg [dreg:$0x7];
	[sflag:s19] =	ssyncadd.s32 $0xFFFF8000  }
0xde: {  	[hbm4b:s1+s2] =	stream.linear.scatter [tilespmem:s25], [sflag:$0x3], $0x8000, $0x38;
	[tilespmem:$0x10100] =	vst v63  }
0xdf: {  	_ =	swait.ge [sflag:s8], $0x8000  }
0xe0: {  	p0 =	sne.s32 s7, $0x1;
	[sflag:s8] =	ssyncset.done $0x0  }
.Ltmp0:
0xe1: {  	s21 =	rddreg [dreg:$0x8];
	[sflag:s8] =	ssyncadd.s32 $0xFFFF8000;
	(pc) =	sbr.rel @p0 .LBB2_1-.Ltmp0, $4  }
0xe2: {  	[hbm4b:s21+s2] =	stream.linear.scatter [tilespmem:s0], [sflag:$0x3], $0x8000, $0x38;
	[tilespmem:$0x10100] =	vst v63  }
0xe3: {  	_ =	swait.ge [sflag:s8], $0x8000  }
0xe4: {  	[sflag:s8] =	ssyncset.done $0x0  }
0xe5: {  	s7 =	sadd.s32 $0xFFFFFFFF, s7;
	[sflag:s8] =	ssyncadd.s32 $0xFFFF8000  }
0xe6: {  	_ =	sfence.sel $0x180000  }
0xe7: {  	[bflag:$0x0] =	sbarrier.arrive $0xFFFF  }
0xe8: {  	_ =	strace $0x9000004A  }
0xe9: {  	s0 =	stileid.u32;
	[bflag:$0x2] =	sbarrier.arrive $0xFFFF  }
0xea: {  	p0 =	sne.s32 s0, $0x0;
	s0 =	rddreg [dreg:$0x2]  }
0xeb: {  	s0 =	sadd.s32 @!p0 $0x100000, s0  }
0xec: {  	[sflag:s0] =	ssyncadd.tile.s32 @!p0 $0x1;
	_ =	shalt  }
.Lfunc_end2:
_tile_overlayer_lowered:
.L_overlay_start_2:
0xed: {  	(tag) =	ssettag $0x2  }
0xee: {  	s0 =	rddreg [dreg:$0x0];
	s2 =	stileid.u32  }
0xef: {  	s1 =	rddreg [dreg:$0x1];
	p0 =	sne.s32 s2, $0x0  }
0xf0: {  	s3 =	rddreg [dreg:$0x2];
	[bflag:$0x3] =	sbarrier.arrive $0xFFFF;
	s2 =	simm.s32 @!p0 $0x1C03  }
0xf1: {  	[timem:s3], [sflag:s2] =	dma.local @!p0 [hbm:s0], s1  }
0xf2: {  	s0 =	simm.s32 @!p0 $0x3  }
0xf3: {  	_ =	swait.ge @!p0 [sflag:s0], s1  }
0xf4: {  	s1 =	ssub.s32 @!p0 $0x0, s1;
	[sflag:s0] =	ssyncset.done @!p0 $0x0  }
0xf5: {  	[sflag:s0] =	ssyncadd.s32 @!p0 s1  }
0xf6: {  	[bflag:$0x3] =	sbarrier.arrive $0xFFFF  }
0xf7: {  	_ =	shalt  }

// kernel: kernel.7.cloned.1.call-start
scs
__scs_entry_jumppad:
0x0: {  	(pc) =	sbr.rel $0x88, $3  }
0x1: {  	(tag) =	ssettag $0x0;
	lr =	simm.s32 $0x1  }
0x2: {  	[smem:$0x3F9B] =	sst lr;
	_ =	strace $0xD0000000  }
0x3: {  	_ = 	snop  }
0x4: {  	_ = 	snop  }
0x5: {  	_ = 	snop  }
0x6: {  	_ = 	snop  }
0x7: {  	_ = 	snop  }
__scs_overlays_trampoline_lowered:
0x8: {  	[smem:$0x3FAA] =	sst s0  }
0x9: {  	[smem:$0x3FAB] =	sst s1  }
0xa: {  	[smem:$0x3FAC] =	sst s2  }
0xb: {  	[smem:$0x3FAD] =	sst s3  }
0xc: {  	[smem:$0x3FAE] =	sst s4  }
0xd: {  	[smem:$0x3FAF] =	sst s5  }
0xe: {  	[smem:$0x3FB0] =	sst s6  }
0xf: {  	[smem:$0x3FB1] =	sst s7  }
0x10: {  	[smem:$0x3FB2] =	sst s8  }
0x11: {  	[smem:$0x3FB3] =	sst s9;
	s0 =	simm.s32 @!p0 $0x0  }
0x12: {  	s1 =	sld [smem:$0x3F99];
	s0 =	simm.s32 @p0 $0x1  }
0x13: {  	[smem:$0x3FB4] =	sst s0;
	s0 =	simm.s32 @!p1 $0x0  }
0x14: {  	s2 =	sld [smem:$0x3F98];
	s0 =	simm.s32 @p1 $0x1  }
0x15: {  	[smem:$0x3FB5] =	sst s0;
	s0 =	simm.s32 @!p2 $0x0  }
0x16: {  	s3 =	sld [smem:$0x3FDB];
	s0 =	simm.s32 @p2 $0x1  }
0x17: {  	s4 =	simm.s32 $0x1BF5;
	[smem:$0x3FB7] =	sst s0  }
0x18: {  	s0 =	sld [smem:$0x3F9A];
	_ =	swait.ge [sflag:s4], $0x0  }
0x19: {  	s7 =	sld [smem:$0x3F9B]  }
0x1a: {  	s8 =	sadd.s32 $0xFFFFE003, lr  }
0x1b: {  	s9 =	sadd.s32 $0xFFFFFEF7, lr;
	s5 =	simm.s32 $0xFFFFFFFF;
	p2 =	slt.u32 s8, $0xFFFFF086  }
0x1c: {  	p1 =	slt.u32 s9, $0xF7A;
	s5 =	simm.s32 @!p2 $0x0  }
0x1d: {  	s5 =	simm.s32 @p1 $0x1;
	p0 =	seq.s32 s7, s2  }
0x1e: {  	s7 =	smul.u32 @!p0 $0xF7A, s2;
	p2 =	seq.s32 @!p0 s5, $0x0  }
0x1f: {  	s9 =	smul.u32 $0xF7A, s1;
	s8 =	simm.s32 @!p0 $0x1BF5;
	p2 =	por !p2, p0  }
0x20: {  	[sflag:s8] =	ssyncset.s32 @!p0 $0xFFFFF086;
	s6 =	sadd.s32 @!p0 s3, s7;
	s7 =	simm.s32 @!p0 $0x108  }
0x21: {  	s3 =	sadd.s32 s3, s9;
	s6 =	sadd.s32 @!p0 $0x88, s6;
	s7 =	simm.s32 @p2 $0x1082  }
0x22: {  	[simem:s7], [sflag:s8] =	dma.local @!p0 [hbm:s6], $0xF7A  }
0x23: {  	s9 =	sor.u32 $0xD0000000, s2;
	s6 =	simm.s32 $0x108;
	_ =	swait.ge @!p0 [sflag:s8], $0x0  }
0x24: {  	s3 =	sadd.s32 $0x88, s3;
	s6 =	simm.s32 @!p1 $0x1082;
	[sflag:s4] =	ssyncset.s32 $0xFFFFF086  }
0x25: {  	[simem:s6], [sflag:s4] =	dma.local [hbm:s3], $0xF7A  }
0x26: {  	[smem:$0x3F9B] =	sst s1;
	(tag) =	ssettag s2;
	_ =	strace s9  }
0x27: {  	s1 =	sld [smem:$0x3FAB]  }
0x28: {  	s2 =	sld [smem:$0x3FAC]  }
0x29: {  	s4 =	sld [smem:$0x3FAE]  }
0x2a: {  	p0 =	seq.s32 s5, $0x0;
	s5 =	sld [smem:$0x3FAF]  }
0x2b: {  	s6 =	sld [smem:$0x3FB0]  }
0x2c: {  	s7 =	sld [smem:$0x3FB1]  }
0x2d: {  	s3 =	simm.s32 $0x108;
	s8 =	sld [smem:$0x3FB2]  }
0x2e: {  	s3 =	simm.s32 @!p0 $0x1082;
	s9 =	sld [smem:$0x3FB3]  }
0x2f: {  	lr =	sadd.s32 s0, s3;
	s0 =	sld [smem:$0x3FAA]  }
0x30: {  	s3 =	sld [smem:$0x3FAD]  }
0x31: {  	[smem:$0x3FB6] =	sst s10  }
0x32: {  	s10 =	sld [smem:$0x3FB4];
	_ =	sdelay $0x3  }
0x33: {  	p0 =	seq.s32 s10, $0x1;
	s10 =	sld [smem:$0x3FB6];
	_ =	sdelay $0x3  }
0x34: {  	[smem:$0x3FB6] =	sst s10  }
0x35: {  	s10 =	sld [smem:$0x3FB5];
	_ =	sdelay $0x3  }
0x36: {  	p1 =	seq.s32 s10, $0x1;
	s10 =	sld [smem:$0x3FB6];
	_ =	sdelay $0x3  }
0x37: {  	[smem:$0x3FB6] =	sst s10  }
0x38: {  	s10 =	sld [smem:$0x3FB7]  }
0x39: {  	_ = 	snop;
	(pc) =	sbr.ind lr, $3  }
0x3a: {  	_ = 	snop  }
0x3b: {  	_ = 	snop  }
0x3c: {  	p2 =	seq.s32 s10, $0x1;
	s10 =	sld [smem:$0x3FB6]  }
0x3d: {  	_ =	shalt  }
0x3e: {  	_ =	shalt  }
0x3f: {  	_ =	shalt  }
0x40: {  	_ =	shalt  }
0x41: {  	_ =	shalt  }
0x42: {  	_ =	shalt  }
0x43: {  	_ =	shalt  }
0x44: {  	_ =	shalt  }
0x45: {  	_ =	shalt  }
0x46: {  	_ =	shalt  }
0x47: {  	_ =	shalt  }
0x48: {  	_ =	shalt  }
0x49: {  	_ =	shalt  }
0x4a: {  	_ =	shalt  }
0x4b: {  	_ =	shalt  }
0x4c: {  	_ =	shalt  }
0x4d: {  	_ =	shalt  }
0x4e: {  	_ =	shalt  }
0x4f: {  	_ =	shalt  }
0x50: {  	_ =	shalt  }
0x51: {  	_ =	shalt  }
0x52: {  	_ =	shalt  }
0x53: {  	_ =	shalt  }
0x54: {  	_ =	shalt  }
0x55: {  	_ =	shalt  }
0x56: {  	_ =	shalt  }
0x57: {  	_ =	shalt  }
0x58: {  	_ =	shalt  }
0x59: {  	_ =	shalt  }
0x5a: {  	_ =	shalt  }
0x5b: {  	_ =	shalt  }
0x5c: {  	_ =	shalt  }
0x5d: {  	_ =	shalt  }
0x5e: {  	_ =	shalt  }
0x5f: {  	_ =	shalt  }
0x60: {  	_ =	shalt  }
0x61: {  	_ =	shalt  }
0x62: {  	_ =	shalt  }
0x63: {  	_ =	shalt  }
0x64: {  	_ =	shalt  }
0x65: {  	_ =	shalt  }
0x66: {  	_ =	shalt  }
0x67: {  	_ =	shalt  }
0x68: {  	_ =	shalt  }
0x69: {  	_ =	shalt  }
0x6a: {  	_ =	shalt  }
0x6b: {  	_ =	shalt  }
0x6c: {  	_ =	shalt  }
0x6d: {  	_ =	shalt  }
0x6e: {  	_ =	shalt  }
0x6f: {  	_ =	shalt  }
0x70: {  	_ =	shalt  }
0x71: {  	_ =	shalt  }
0x72: {  	_ =	shalt  }
0x73: {  	_ =	shalt  }
0x74: {  	_ =	shalt  }
0x75: {  	_ =	shalt  }
0x76: {  	_ =	shalt  }
0x77: {  	_ =	shalt  }
0x78: {  	_ =	shalt  }
0x79: {  	_ =	shalt  }
0x7a: {  	_ =	shalt  }
0x7b: {  	_ =	shalt  }
0x7c: {  	_ =	shalt  }
0x7d: {  	_ =	shalt  }
0x7e: {  	_ =	shalt  }
0x7f: {  	_ =	shalt  }
0x80: {  	_ =	shalt  }
0x81: {  	_ =	shalt  }
0x82: {  	_ =	shalt  }
0x83: {  	_ =	shalt  }
0x84: {  	_ =	shalt  }
0x85: {  	_ =	shalt  }
0x86: {  	_ =	shalt  }
0x87: {  	_ =	shalt  }
.Lfunc_end0:
.L_simem_size_0:
called_computation_lowered:
.L_overlay_start_0:
0x88: {  	s2 =	sld [smem:$0x3FD9]  }
0x89: {  	s3 =	sld [smem:$0x3FFE];
	_ =	sdelay $0x1  }
0x8a: {  	s1 =	srdreg.scid  }
0x8b: {  	s0 =	sand.u32 $0x1, s1  }
0x8c: {  	s17 =	sshll.u32 s0, $0xA;
	s2 =	sadd.s32 s3, s2  }
0x8d: {  	s2 =	sadd.s32 s2, s17  }
0x8e: {  	[smem:$0x3FC2] =	sst s2  }
0x8f: {  	_ = 	snop  }
0x90: {  	s2 =	sld [smem:$0x3FC9]  }
0x91: {  	s18 =	sld [smem:$0x3FD0];
	(tm) =	ssettm $0x1  }
0x92: {  	s4 =	sld [smem:$0x3FFB];
	_ =	sdelay $0x3  }
0x93: {  	_ =	strace s4  }
0x94: {  	s4 =	sld [smem:$0x3FFC];
	_ =	sdelay $0x3  }
0x95: {  	_ =	strace s4  }
0x96: {  	s4 =	sld [smem:$0x3FFD];
	_ =	sdelay $0x3  }
0x97: {  	_ =	strace s4  }
0x98: {  	_ =	strace $0x8FFFFFFF  }
0x99: {  	s19 =	sld [smem:$0x3FDB];
	_ =	sdelay $0x1  }
0x9a: {  	s5 =	simm.s32 $_scs_section_size  }
0x9b: {  	s6 =	simm.s32 $_size__tile_overlayer_lowered;
	s7 =	simm.s32 $_tile_overlayer_lowered  }
0x9c: {  	s22 =	simm.s32 $0x1BFF;
	s21 =	sshll.u32 s7, $0x1;
	s4 =	sadd.s32 s5, s19  }
0x9d: {  	s8 =	simm.s32 $0x0;
	s20 =	sshll.u32 s6, $0x1;
	s6 =	sadd.s32 s21, s4  }
0x9e: {  	[timem:s8], [sflag:s22] =	dma.local [hbm:s6], s20  }
0x9f: {  	_ =	swait.ge [sflag:s22], s20  }
0xa0: {  	s5 =	ssub.s32 $0x0, s20;
	[sflag:s22] =	ssyncset.done $0x0  }
0xa1: {  	[sflag:s22] =	ssyncadd.s32 s5;
	_ =	sdelay $0x1  }
0xa2: {  	s23 =	simm.s32 $0x1B8B  }
0xa3: {  	_ =	swait.ge [sflag:s23], $0x1  }
0xa4: {  	[sflag:s23] =	ssyncset.done $0x0  }
0xa5: {  	s25 =	simm.s32 $0x1B8E;
	s24 =	sld [smem:$0x3FFE];
	[sflag:s23] =	ssyncadd.s32 $0xFFFFFFFF  }
0xa6: {  	s26 =	simm.s32 $execute0_lowered;
	[smem:$0x3FD2] =	sst s25  }
0xa7: {  	s6 =	sshll.u32 s26, $0x1;
	_ =	strace $0x80000046;
	[dreg:$0x1] =	wrdreg $0xFFFFFFFF  }
0xa8: {  	s28 =	simm.s32 $_size_execute0_lowered;
	s4 =	sadd.s32 s4, s6;
	[dreg:$0x0] =	wrdreg $0x0  }
0xa9: {  	s6 =	sshll.u32 s28, $0x1;
	[dreg:$0x2] =	wrdreg s4  }
0xaa: {  	[dreg:$0x3] =	wrdreg s6  }
0xab: {  	[dreg:$0x4] =	wrdreg $0xC0  }
0xac: {  	_ =	task [dreg:s8], $0x5FFFF  }
0xad: {  	[dreg:$0x1] =	wrdreg $0xFFFFFFFF  }
0xae: {  	[dreg:$0x0] =	wrdreg $0x60  }
0xaf: {  	[dreg:$0x2] =	wrdreg s24  }
0xb0: {  	[dreg:$0x3] =	wrdreg s2  }
0xb1: {  	[dreg:$0x4] =	wrdreg s18  }
0xb2: {  	[dreg:$0x5] =	wrdreg $0x103800  }
0xb3: {  	[dreg:$0x6] =	wrdreg $0x105000  }
0xb4: {  	[dreg:$0x7] =	wrdreg $0x9  }
0xb5: {  	_ =	task.clear_ibuf [dreg:s8], $0x8FFFF;
	_ =	strace $0x90000046  }
0xb6: {  	s29 =	simm.s32 $0x9;
	_ =	strace $0x80000048  }
0xb7: {  	_ =	swait.ge [sflag:s29], $0x1  }
0xb8: {  	[sflag:s29] =	ssyncadd.s32 $0xFFFFFFFF  }
0xb9: {  	_ =	strace $0x90000048  }
0xba: {  	_ =	sfence  }
0xbb: {  	s30 =	sld [smem:$0x0];
	_ =	sdelay $0x2  }
0xbc: {  	s31 =	sshll.u32 s1, $0xD;
	s1 =	sshrl.u32 s1, $0x2  }
0xbd: {  	s3 =	sand.u32 $0x4000, s31;
	s1 =	sadd.s32 s1, s30  }
0xbe: {  	s0 =	sor.u32 s3, s0;
	s1 =	sshll.u32 s1, $0x11  }
0xbf: {  	s0 =	sor.u32 s1, s0  }
0xc0: {  	s0 =	sadd.s32 $0x8F2B, s0  }
0xc1: {  	[sflag:s0] =	ssyncadd.remote.s32 $0x1  }
0xc2: {  	_ =	sfence.sel $0xFFFF  }
0xc3: {  	[dreg:$0x0] =	wrdreg $0xFFFFFFFF;
	(pc) =	sbr.abs _section_cstart, $3  }
0xc4: {  	[dreg:$0x1] =	wrdreg $0xFFFFFFFF  }
0xc5: {  	_ =	task.clear_ibuf [dreg:s8], $0x2FFFF;
	_ =	strace $0x9FFFFFFF  }
0xc6: {  	(tm) =	ssettm $0x7FFFFFFF  }
0xc7: {  	_ =	shalt  }
tec
execute0_lowered:
.L_overlay_start_1:
0x0: {  	(tag) =	ssettag $0x1  }
0x1: {  	s0 =	rddreg [dreg:$0x0]  }
0x2: {  	s1 =	rddreg [dreg:$0x1]  }
0x3: {  	s3 =	rddreg [dreg:$0x2]  }
0x4: {  	s11 =	rddreg [dreg:$0x3]  }
0x5: {  	s12 =	rddreg [dreg:$0x4];
	s4 =	simm.s32 $0x0  }
0x6: {  	s2 =	srdreg.scid;
	s14 =	stileid.u32;
	s30 =	simm.s32 $0x1B80  }
0x7: {  	s31 =	simm.s32 $0x2380;
	[smem:$0x7FF] =	sst s4;
	s5 =	sadd.s32 $0xC00, s0  }
0x8: {  	s2 =	sand.u32 $0x1, s2;
	s6 =	sadd.s32 $0xA00, s0;
	s26 =	sshll.u32 s14, $0x4  }
0x9: {  	s0 =	sadd.s32 $0xE00, s0;
	_ =	strace $0x80000047;
	s28 =	sadd.s32 s5, s26  }
0xa: {  	s7 =	ssub.s32 $0x2, s2;
	s29 =	sadd.s32 s6, s26;
	[dreg:$0x6] =	wrdreg s28  }
0xb: {  	s9 =	sshll.u32 s14, $0x1;
	s8 =	sshrl.u32 s7, $0x1;
	[dreg:$0x7] =	wrdreg s29  }
0xc: {  	s29 =	simm.s32 $0x180;
	s10 =	ssub.s32 s7, s8;
	s7 =	sor.u32 s2, s9  }
0xd: {  	s2 =	sshll.u32 s14, $0x7;
	s8 =	sor.u32 $0x100, s26;
	[dreg:$0x10] =	wrdreg s29  }
0xe: {  	s13 =	sor.u32 $0x10, s2;
	s15 =	sor.u32 $0x20, s2;
	s16 =	sor.u32 $0x30, s2  }
0xf: {  	s17 =	sor.u32 $0x40, s2;
	s5 =	sadd.s32 s5, s8;
	s14 =	smul.u32 $0xC0, s7  }
0x10: {  	s18 =	sor.u32 $0x50, s2;
	s21 =	sadd.s32 s6, s8;
	s23 =	smul.u32 $0x30000, s7  }
0x11: {  	s19 =	sor.u32 $0x60, s2;
	s20 =	sor.u32 $0x70, s2;
	s7 =	smul.u32 $0x6000, s7  }
0x12: {  	s6 =	sadd.s32 $0x100, s1;
	s8 =	sadd.s32 $0x300, s1;
	[dreg:$0x8] =	wrdreg s5  }
0x13: {  	v10 =	vlaneseq.u32;
	s9 =	smax.u32 s10, $0x1;
	s10 =	simm.s32 $0x2;
	[dreg:$0x9] =	wrdreg s21  }
0x14: {  	v1 =	vor.u32 s13, v10;
	v2 =	vor.u32 s15, v10;
	v3 =	vor.u32 s16, v10;
	s13 =	simm.s32 $0x4B80;
	s15 =	simm.s32 $0x5380;
	s16 =	simm.s32 $0x5B80  }
0x15: {  	v4 =	vor.u32 s17, v10;
	v5 =	vor.u32 s18, v10;
	v6 =	vor.u32 s19, v10;
	s17 =	simm.s32 $0x6380;
	s18 =	simm.s32 $0x6B80;
	s19 =	simm.s32 $0x7380  }
0x16: {  	v7 =	vor.u32 s20, v10;
	s20 =	simm.s32 $0x7B80;
	s21 =	simm.s32 $0x8380;
	s22 =	sadd.s32 s14, s11  }
0x17: {  	s24 =	sadd.s32 s14, s12;
	s25 =	sshrl.u32 s14, $0x3;
	s5 =	sshrl.u32 s23, $0x3  }
0x18: {  	s26 =	sadd.s32 s0, s7;
	s7 =	sadd.s32 $0x200, s1;
	s23 =	simm.s32 $0x9380  }
0x19: {  	s11 =	simm.s32 $0xA380;
	s12 =	simm.s32 $0xAB80;
	[dreg:$0xa] =	wrdreg s22  }
0x1a: {  	s14 =	simm.s32 $0xB380;
	[dreg:$0xb] =	wrdreg s24;
	s3 =	sadd.s32 s3, s25  }
0x1b: {  	s0 =	sadd.s32 s0, s5;
	[dreg:$0xd] =	wrdreg s26;
	s25 =	simm.s32 $0x1  }
0x1c: {  	s5 =	simm.s32 $0x3380;
	[dreg:$0xc] =	wrdreg s3;
	s28 =	sadd.s32 $0x2000, s0  }
0x1d: {  	vm0 =	vmmov $0xffff;
	v8 =	vand.u32 $0x7, v10;
	v9 =	vshrl.u32 v10, $0x3;
	s22 =	simm.s32 $0x8B80;
	s0 =	sadd.s32 $0x4000, s0;
	[dreg:$0xe] =	wrdreg s28  }
0x1e: {  	v9 =	vmul.u32 $0x8, v9;
	v0 =	vor.u32 s2, v10;
	v10 =	vor.u32 $0x8, v10;
	s24 =	simm.s32 $0x9B80;
	s3 =	simm.s32 $0x4380;
	[dreg:$0xf] =	wrdreg s0  }
.LBB2_1:
0x1f: {  	[tilespmem:$0x80] =	vst v0  }
0x20: {  	[tilespmem:$0x90] =	vst v1  }
0x21: {  	[tilespmem:$0xA0] =	vst v2  }
0x22: {  	[tilespmem:$0xB0] =	vst v3  }
0x23: {  	[tilespmem:$0xC0] =	vst v4  }
0x24: {  	[tilespmem:$0xD0] =	vst v5  }
0x25: {  	[tilespmem:$0xE0] =	vst v6  }
0x26: {  	s26 =	rddreg [dreg:$0x6];
	[tilespmem:$0xF0] =	vst v7  }
0x27: {  	[tilespmem:s4], [sflag:$0x2] =	stream.linear.gather [hbm4b:s26+s4], $0x80, $0x38;
	[tilespmem:$0x10680] =	vst v63  }
0x28: {  	_ =	swait.ge [sflag:s10], $0x80  }
0x29: {  	[sflag:s10] =	ssyncset.done $0x0  }
0x2a: {  	s0 =	simm.s32 $0x100;
	s29 =	rddreg [dreg:$0x7];
	[sflag:s10] =	ssyncadd.s32 $0xFFFFFF80  }
0x2b: {  	[tilespmem:s0], [sflag:$0x2] =	stream.linear.gather [hbm4b:s29+s4], $0x80, $0x38;
	[tilespmem:$0x10680] =	vst v63  }
0x2c: {  	_ =	swait.ge [sflag:s10], $0x80  }
0x2d: {  	[sflag:s10] =	ssyncset.done $0x0  }
0x2e: {  	[sflag:s10] =	ssyncadd.s32 $0xFFFFFF80  }
0x2f: {  	s2 =	simm.s32 $0x80;
	s28 =	rddreg [dreg:$0x3]  }
0x30: {  	[spmem:s28] =	stream.indirect.scatter [tilespmem:s2], [sflag:$0x2], $0x1, s4, s2, $0xb8;
	[tilespmem:$0x10680] =	vst v63  }
0x31: {  	_ =	swait.ge [sflag:s10], $0x80  }
0x32: {  	[sflag:s10] =	ssyncset.done $0x0  }
0x33: {  	[sflag:s10] =	ssyncadd.s32 $0xFFFFFF80  }
0x34: {  	s29 =	rddreg [dreg:$0x4]  }
0x35: {  	[spmem:s29] =	stream.indirect.scatter [tilespmem:s0], [sflag:$0x2], $0x1, s4, s2, $0xb8;
	[tilespmem:$0x10680] =	vst v63  }
0x36: {  	_ =	swait.ge [sflag:s10], $0x80  }
0x37: {  	[sflag:s10] =	ssyncset.done $0x0  }
0x38: {  	s26 =	rddreg [dreg:$0x8];
	[sflag:s10] =	ssyncadd.s32 $0xFFFFFF80  }
0x39: {  	[tilespmem:s4], [sflag:$0x2] =	stream.linear.gather [hbm4b:s26+s4], $0x80, $0x38;
	[tilespmem:$0x10680] =	vst v63  }
0x3a: {  	_ =	swait.ge [sflag:s10], $0x80  }
0x3b: {  	[sflag:s10] =	ssyncset.done $0x0  }
0x3c: {  	s26 =	rddreg [dreg:$0x9];
	[sflag:s10] =	ssyncadd.s32 $0xFFFFFF80  }
0x3d: {  	[tilespmem:s0], [sflag:$0x2] =	stream.linear.gather [hbm4b:s26+s4], $0x80, $0x38;
	[tilespmem:$0x10680] =	vst v63  }
0x3e: {  	_ =	swait.ge [sflag:s10], $0x80  }
0x3f: {  	[sflag:s10] =	ssyncset.done $0x0  }
0x40: {  	[sflag:s10] =	ssyncadd.s32 $0xFFFFFF80  }
0x41: {  	[spmem:s28] =	stream.indirect.scatter [tilespmem:s2], [sflag:$0x2], $0x1, s4, s2, $0xb8;
	[tilespmem:$0x10680] =	vst v63  }
0x42: {  	_ =	swait.ge [sflag:s10], $0x80  }
0x43: {  	[sflag:s10] =	ssyncset.done $0x0  }
0x44: {  	[sflag:s10] =	ssyncadd.s32 $0xFFFFFF80  }
0x45: {  	[spmem:s29] =	stream.indirect.scatter [tilespmem:s0], [sflag:$0x2], $0x1, s4, s2, $0xb8;
	[tilespmem:$0x10680] =	vst v63  }
0x46: {  	_ =	swait.ge [sflag:s10], $0x80  }
0x47: {  	[sflag:s10] =	ssyncset.done $0x0  }
0x48: {  	[sflag:s10] =	ssyncadd.s32 $0xFFFFFF80  }
0x49: {  	[bflag:$0x0] =	sbarrier.arrive $0xFFFF  }
0x4a: {  	s0 =	rddreg [dreg:$0xa]  }
0x4b: {  	s2 =	rddreg [dreg:$0x10]  }
0x4c: {  	[tilespmem:s2], [sflag:$0x2] =	stream.linear.gather [spmem:s0], $0xC0, $0x38;
	[tilespmem:$0x10680] =	vst v63  }
0x4d: {  	_ =	swait.ge [sflag:s10], $0xC0  }
0x4e: {  	[sflag:s10] =	ssyncset.done $0x0  }
0x4f: {  	s0 =	simm.s32 $0x280;
	s29 =	rddreg [dreg:$0xb];
	[sflag:s10] =	ssyncadd.s32 $0xFFFFFF40  }
0x50: {  	[tilespmem:s0], [sflag:$0x2] =	stream.linear.gather [spmem:s29], $0xC0, $0x38;
	[tilespmem:$0x10680] =	vst v63  }
0x51: {  	_ =	swait.ge [sflag:s10], $0xC0  }
0x52: {  	[sflag:s10] =	ssyncset.done $0x0  }
0x53: {  	s2 =	rddreg [dreg:$0xc];
	[sflag:s10] =	ssyncadd.s32 $0xFFFFFF40  }
0x54: {  	[hbm4b:s2+s4] =	stream.linear.scatter [tilespmem:s0], [sflag:$0x2], $0xC0, $0x38;
	[tilespmem:$0x10680] =	vst v63  }
0x55: {  	_ =	swait.ge [sflag:s10], $0xC0  }
0x56: {  	[sflag:s10] =	ssyncset.done $0x0  }
0x57: {  	[sflag:s10] =	ssyncadd.s32 $0xFFFFFF40  }
0x58: {  	v11 =	vld [tilespmem:$0x180]  }
0x59: {  	v12 =	vld [tilespmem:$0x190];
	_ =	sdelay $0x1  }
0x5a: {  	v13 =	vld [tilespmem:$0x1A0]  }
0x5b: {  	v14 =	vld [tilespmem:$0x1B0]  }
0x5c: {  	vm1 =	vgt.s32 v11, $0x0  }
0x5d: {  	v15 =	vld [tilespmem:$0x1C0];
	v11 =	vnsel vm1, $0x0, v11;
	vm1 =	vgt.s32 v12, $0x0  }
0x5e: {  	v16 =	vld [tilespmem:$0x1D0];
	v12 =	vnsel vm1, $0x0, v12  }
0x5f: {  	v17 =	vld [tilespmem:$0x1E0];
	v11 =	vmin.u32 v11, $0x7FF;
	vm1 =	vgt.s32 v13, $0x0;
	v12 =	vmin.u32 v12, $0x7FF  }
0x60: {  	v18 =	vld [tilespmem:$0x1F0];
	v13 =	vnsel vm1, $0x0, v13;
	vm1 =	vgt.s32 v14, $0x0;
	v20 =	vshll.u32 v11, $0x3  }
0x61: {  	[tilespmem:$0x180] =	vst v11;
	v11 =	vand.u32 $0x7, v11;
	v13 =	vmin.u32 v13, $0x7FF;
	v14 =	vnsel vm1, $0x0, v14  }
0x62: {  	v19 =	vld [tilespmem:$0x200];
	vm1 =	vgt.s32 v15, $0x0;
	v20 =	vand.u32 $0x3FC0, v20;
	v14 =	vmin.u32 v14, $0x7FF  }
0x63: {  	v40 =	vld [tilespmem:$0x210];
	[tilespmem:$0x190] =	vst v12;
	v15 =	vnsel vm1, $0x0, v15;
	vm1 =	vgt.s32 v16, $0x0;
	v11 =	vor.u32 v11, v20  }
0x64: {  	v41 =	vld [tilespmem:$0x220];
	[tilespmem:$0x1A0] =	vst v13;
	v38 =	vmin.u32 v15, $0x7FF;
	v39 =	vnsel vm1, $0x0, v16;
	vm1 =	vgt.s32 v17, $0x0  }
0x65: {  	v43 =	vld [tilespmem:$0x230];
	[tilespmem:$0x1B0] =	vst v14;
	v48 =	vperm.xlane v11, v8;
	v42 =	vnsel vm1, $0x0, v17;
	vm1 =	vgt.s32 v18, $0x0  }
0x66: {  	[tilespmem:$0x1C0] =	vst v38;
	v44 =	vmin.u32 v39, $0x7FF;
	v45 =	vnsel vm1, $0x0, v18  }
0x67: {  	vm1 =	vgt.s32 v19, $0x0;
	[tilespmem:$0x1D0] =	vst v44;
	v46 =	vmin.u32 v42, $0x7FF;
	v51 =	vadd.s32 v9, v48  }
0x68: {  	v47 =	vnsel vm1, $0x0, v19;
	[tilespmem:$0x1E0] =	vst v46;
	v49 =	vmin.u32 v45, $0x7FF;
	vm1 =	vgt.s32 v40, $0x0  }
0x69: {  	v14 =	vmin.u32 v47, $0x7FF;
	[tilespmem:$0x1F0] =	vst v49;
	v50 =	vnsel vm1, $0x0, v40;
	vm1 =	vgt.s32 v41, $0x0  }
0x6a: {  	[tilespmem:$0x200] =	vst v14;
	v12 =	vmin.u32 v50, $0x7FF;
	v13 =	vnsel vm1, $0x0, v41;
	vm1 =	vgt.s32 v43, $0x0  }
0x6b: {  	[tilespmem:$0x210] =	vst v12;
	v52 =	vnsel vm1, $0x0, v43;
	v13 =	vmin.u32 v13, $0x7FF  }
0x6c: {  	[tilespmem:$0x220] =	vst v13;
	v12 =	vmin.u32 v52, $0x7FF  }
0x6d: {  	s0 =	simm.s32 $0x380;
	[tilespmem:$0x230] =	vst v12  }
0x6e: {  	[tilespmem:s0], [sflag:$0x1] =	stream.indirect_vreg.gather [hbm4b:s1+s4], $0x80, v51, vm0, $0xb8;
	[tilespmem:$0x10680] =	vst v63  }
0x6f: {  	s28 =	simm.s32 $0xB80;
	v11 =	vperm.xlane v11, v10  }
0x70: {  	[tilespmem:s28], [sflag:$0x1] =	stream.indirect_vreg.gather [hbm4b:s6+s4], $0x80, v51, vm0, $0xb8;
	[tilespmem:$0x10680] =	vst v63  }
0x71: {  	s29 =	simm.s32 $0x1380;
	v11 =	vadd.s32 v9, v11  }
0x72: {  	[tilespmem:s29], [sflag:$0x1] =	stream.indirect_vreg.gather [hbm4b:s7+s4], $0x80, v51, vm0, $0xb8;
	[tilespmem:$0x10680] =	vst v63  }
0x73: {  	_ = 	snop  }
0x74: {  	[tilespmem:s30], [sflag:$0x1] =	stream.indirect_vreg.gather [hbm4b:s8+s4], $0x80, v51, vm0, $0xb8;
	[tilespmem:$0x10680] =	vst v63  }
0x75: {  	_ = 	snop  }
0x76: {  	[tilespmem:s31], [sflag:$0x1] =	stream.indirect_vreg.gather [hbm4b:s1+s4], $0x80, v11, vm0, $0xb8;
	[tilespmem:$0x10680] =	vst v63  }
0x77: {  	s26 =	simm.s32 $0x2B80  }
0x78: {  	[tilespmem:s26], [sflag:$0x1] =	stream.indirect_vreg.gather [hbm4b:s6+s4], $0x80, v11, vm0, $0xb8;
	[tilespmem:$0x10680] =	vst v63  }
0x79: {  	_ = 	snop  }
0x7a: {  	[tilespmem:s5], [sflag:$0x1] =	stream.indirect_vreg.gather [hbm4b:s7+s4], $0x80, v11, vm0, $0xb8;
	[tilespmem:$0x10680] =	vst v63  }
0x7b: {  	s2 =	simm.s32 $0x3B80  }
0x7c: {  	[tilespmem:s2], [sflag:$0x1] =	stream.indirect_vreg.gather [hbm4b:s8+s4], $0x80, v11, vm0, $0xb8;
	[tilespmem:$0x10680] =	vst v63  }
0x7d: {  	v11 =	vld [tilespmem:$0x190];
	_ =	sdelay $0x4  }
0x7e: {  	v53 =	vshll.u32 v11, $0x3  }
0x7f: {  	v11 =	vand.u32 $0x7, v11;
	v12 =	vand.u32 $0xFFFFFFC0, v53  }
0x80: {  	v11 =	vor.u32 v11, v12  }
0x81: {  	v12 =	vperm.xlane v11, v8;
	_ =	sdelay $0x1  }
0x82: {  	v12 =	vadd.s32 v9, v12;
	_ =	sdelay $0x4  }
0x83: {  	[tilespmem:s3], [sflag:$0x1] =	stream.indirect_vreg.gather [hbm4b:s1+s4], $0x80, v12, vm0, $0xb8;
	[tilespmem:$0x10680] =	vst v63  }
0x84: {  	v11 =	vperm.xlane v11, v10  }
0x85: {  	[tilespmem:s13], [sflag:$0x1] =	stream.indirect_vreg.gather [hbm4b:s6+s4], $0x80, v12, vm0, $0xb8;
	[tilespmem:$0x10680] =	vst v63  }
0x86: {  	v11 =	vadd.s32 v9, v11  }
0x87: {  	[tilespmem:s15], [sflag:$0x1] =	stream.indirect_vreg.gather [hbm4b:s7+s4], $0x80, v12, vm0, $0xb8;
	[tilespmem:$0x10680] =	vst v63  }
0x88: {  	_ = 	snop  }
0x89: {  	[tilespmem:s16], [sflag:$0x1] =	stream.indirect_vreg.gather [hbm4b:s8+s4], $0x80, v12, vm0, $0xb8;
	[tilespmem:$0x10680] =	vst v63  }
0x8a: {  	_ = 	snop  }
0x8b: {  	[tilespmem:s17], [sflag:$0x1] =	stream.indirect_vreg.gather [hbm4b:s1+s4], $0x80, v11, vm0, $0xb8;
	[tilespmem:$0x10680] =	vst v63  }
0x8c: {  	_ = 	snop  }
0x8d: {  	[tilespmem:s18], [sflag:$0x1] =	stream.indirect_vreg.gather [hbm4b:s6+s4], $0x80, v11, vm0, $0xb8;
	[tilespmem:$0x10680] =	vst v63  }
0x8e: {  	_ = 	snop  }
0x8f: {  	[tilespmem:s19], [sflag:$0x1] =	stream.indirect_vreg.gather [hbm4b:s7+s4], $0x80, v11, vm0, $0xb8;
	[tilespmem:$0x10680] =	vst v63  }
0x90: {  	_ = 	snop  }
0x91: {  	[tilespmem:s20], [sflag:$0x1] =	stream.indirect_vreg.gather [hbm4b:s8+s4], $0x80, v11, vm0, $0xb8;
	[tilespmem:$0x10680] =	vst v63  }
0x92: {  	v11 =	vld [tilespmem:$0x1A0];
	_ =	sdelay $0x4  }
0x93: {  	v54 =	vshll.u32 v11, $0x3  }
0x94: {  	v11 =	vand.u32 $0x7, v11;
	v12 =	vand.u32 $0xFFFFFFC0, v54  }
0x95: {  	v11 =	vor.u32 v11, v12  }
0x96: {  	v12 =	vperm.xlane v11, v8;
	_ =	sdelay $0x1  }
0x97: {  	v12 =	vadd.s32 v9, v12;
	_ =	sdelay $0x4  }
0x98: {  	[tilespmem:s21], [sflag:$0x1] =	stream.indirect_vreg.gather [hbm4b:s1+s4], $0x80, v12, vm0, $0xb8;
	[tilespmem:$0x10680] =	vst v63  }
0x99: {  	v11 =	vperm.xlane v11, v10  }
0x9a: {  	[tilespmem:s22], [sflag:$0x1] =	stream.indirect_vreg.gather [hbm4b:s6+s4], $0x80, v12, vm0, $0xb8;
	[tilespmem:$0x10680] =	vst v63  }
0x9b: {  	v11 =	vadd.s32 v9, v11  }
0x9c: {  	[tilespmem:s23], [sflag:$0x1] =	stream.indirect_vreg.gather [hbm4b:s7+s4], $0x80, v12, vm0, $0xb8;
	[tilespmem:$0x10680] =	vst v63  }
0x9d: {  	_ = 	snop  }
0x9e: {  	[tilespmem:s24], [sflag:$0x1] =	stream.indirect_vreg.gather [hbm4b:s8+s4], $0x80, v12, vm0, $0xb8;
	[tilespmem:$0x10680] =	vst v63  }
0x9f: {  	_ = 	snop  }
0xa0: {  	[tilespmem:s11], [sflag:$0x1] =	stream.indirect_vreg.gather [hbm4b:s1+s4], $0x80, v11, vm0, $0xb8;
	[tilespmem:$0x10680] =	vst v63  }
0xa1: {  	_ = 	snop  }
0xa2: {  	[tilespmem:s12], [sflag:$0x1] =	stream.indirect_vreg.gather [hbm4b:s6+s4], $0x80, v11, vm0, $0xb8;
	[tilespmem:$0x10680] =	vst v63  }
0xa3: {  	_ = 	snop  }
0xa4: {  	[tilespmem:s14], [sflag:$0x1] =	stream.indirect_vreg.gather [hbm4b:s7+s4], $0x80, v11, vm0, $0xb8;
	[tilespmem:$0x10680] =	vst v63  }
0xa5: {  	s26 =	simm.s32 $0xBB80  }
0xa6: {  	[tilespmem:s26], [sflag:$0x1] =	stream.indirect_vreg.gather [hbm4b:s8+s4], $0x80, v11, vm0, $0xb8;
	[tilespmem:$0x10680] =	vst v63  }
0xa7: {  	v11 =	vld [tilespmem:$0x1B0];
	_ =	sdelay $0x4  }
0xa8: {  	v55 =	vshll.u32 v11, $0x3  }
0xa9: {  	v11 =	vand.u32 $0x7, v11;
	v12 =	vand.u32 $0xFFFFFFC0, v55  }
0xaa: {  	v11 =	vor.u32 v11, v12  }
0xab: {  	v12 =	vperm.xlane v11, v8;
	_ =	sdelay $0x1  }
0xac: {  	v12 =	vadd.s32 v9, v12;
	_ =	sdelay $0x3  }
0xad: {  	s26 =	simm.s32 $0xC380  }
0xae: {  	[tilespmem:s26], [sflag:$0x1] =	stream.indirect_vreg.gather [hbm4b:s1+s4], $0x80, v12, vm0, $0xb8;
	[tilespmem:$0x10680] =	vst v63  }
0xaf: {  	v11 =	vperm.xlane v11, v10;
	s26 =	simm.s32 $0xCB80  }
0xb0: {  	[tilespmem:s26], [sflag:$0x1] =	stream.indirect_vreg.gather [hbm4b:s6+s4], $0x80, v12, vm0, $0xb8;
	[tilespmem:$0x10680] =	vst v63  }
0xb1: {  	v11 =	vadd.s32 v9, v11;
	s26 =	simm.s32 $0xD380  }
0xb2: {  	[tilespmem:s26], [sflag:$0x1] =	stream.indirect_vreg.gather [hbm4b:s7+s4], $0x80, v12, vm0, $0xb8;
	[tilespmem:$0x10680] =	vst v63  }
0xb3: {  	s26 =	simm.s32 $0xDB80  }
0xb4: {  	[tilespmem:s26], [sflag:$0x1] =	stream.indirect_vreg.gather [hbm4b:s8+s4], $0x80, v12, vm0, $0xb8;
	[tilespmem:$0x10680] =	vst v63  }
0xb5: {  	s26 =	simm.s32 $0xE380  }
0xb6: {  	[tilespmem:s26], [sflag:$0x1] =	stream.indirect_vreg.gather [hbm4b:s1+s4], $0x80, v11, vm0, $0xb8;
	[tilespmem:$0x10680] =	vst v63  }
0xb7: {  	s26 =	simm.s32 $0xEB80  }
0xb8: {  	[tilespmem:s26], [sflag:$0x1] =	stream.indirect_vreg.gather [hbm4b:s6+s4], $0x80, v11, vm0, $0xb8;
	[tilespmem:$0x10680] =	vst v63  }
0xb9: {  	s26 =	simm.s32 $0xF380  }
0xba: {  	[tilespmem:s26], [sflag:$0x1] =	stream.indirect_vreg.gather [hbm4b:s7+s4], $0x80, v11, vm0, $0xb8;
	[tilespmem:$0x10680] =	vst v63  }
0xbb: {  	s26 =	simm.s32 $0xFB80  }
0xbc: {  	[tilespmem:s26], [sflag:$0x1] =	stream.indirect_vreg.gather [hbm4b:s8+s4], $0x80, v11, vm0, $0xb8;
	[tilespmem:$0x10680] =	vst v63  }
0xbd: {  	_ =	swait.ge [sflag:s25], $0x10000  }
0xbe: {  	[sflag:s25] =	ssyncset.done $0x0  }
0xbf: {  	s26 =	rddreg [dreg:$0xd];
	[sflag:s25] =	ssyncadd.s32 $0xFFFF0000  }
0xc0: {  	[hbm4b:s26+s4] =	stream.linear.scatter [tilespmem:s0], [sflag:$0x2], $0x10000, $0x38;
	[tilespmem:$0x10680] =	vst v63  }
0xc1: {  	_ =	swait.ge [sflag:s10], $0x10000  }
0xc2: {  	[sflag:s10] =	ssyncset.done $0x0  }
0xc3: {  	[sflag:s10] =	ssyncadd.s32 $0xFFFF0000  }
0xc4: {  	v11 =	vld [tilespmem:$0x1C0];
	_ =	sdelay $0x4  }
0xc5: {  	v56 =	vshll.u32 v11, $0x3  }
0xc6: {  	v11 =	vand.u32 $0x7, v11;
	v12 =	vand.u32 $0xFFFFFFC0, v56  }
0xc7: {  	v11 =	vor.u32 v11, v12  }
0xc8: {  	v12 =	vperm.xlane v11, v8;
	_ =	sdelay $0x1  }
0xc9: {  	v12 =	vadd.s32 v9, v12;
	_ =	sdelay $0x4  }
0xca: {  	[tilespmem:s0], [sflag:$0x1] =	stream.indirect_vreg.gather [hbm4b:s1+s4], $0x80, v12, vm0, $0xb8;
	[tilespmem:$0x10680] =	vst v63  }
0xcb: {  	v11 =	vperm.xlane v11, v10  }
0xcc: {  	[tilespmem:s28], [sflag:$0x1] =	stream.indirect_vreg.gather [hbm4b:s6+s4], $0x80, v12, vm0, $0xb8;
	[tilespmem:$0x10680] =	vst v63  }
0xcd: {  	v11 =	vadd.s32 v9, v11  }
0xce: {  	[tilespmem:s29], [sflag:$0x1] =	stream.indirect_vreg.gather [hbm4b:s7+s4], $0x80, v12, vm0, $0xb8;
	[tilespmem:$0x10680] =	vst v63  }
0xcf: {  	_ = 	snop  }
0xd0: {  	[tilespmem:s30], [sflag:$0x1] =	stream.indirect_vreg.gather [hbm4b:s8+s4], $0x80, v12, vm0, $0xb8;
	[tilespmem:$0x10680] =	vst v63  }
0xd1: {  	_ = 	snop  }
0xd2: {  	[tilespmem:s31], [sflag:$0x1] =	stream.indirect_vreg.gather [hbm4b:s1+s4], $0x80, v11, vm0, $0xb8;
	[tilespmem:$0x10680] =	vst v63  }
0xd3: {  	s26 =	simm.s32 $0x2B80  }
0xd4: {  	[tilespmem:s26], [sflag:$0x1] =	stream.indirect_vreg.gather [hbm4b:s6+s4], $0x80, v11, vm0, $0xb8;
	[tilespmem:$0x10680] =	vst v63  }
0xd5: {  	_ = 	snop  }
0xd6: {  	[tilespmem:s5], [sflag:$0x1] =	stream.indirect_vreg.gather [hbm4b:s7+s4], $0x80, v11, vm0, $0xb8;
	[tilespmem:$0x10680] =	vst v63  }
0xd7: {  	_ = 	snop  }
0xd8: {  	[tilespmem:s2], [sflag:$0x1] =	stream.indirect_vreg.gather [hbm4b:s8+s4], $0x80, v11, vm0, $0xb8;
	[tilespmem:$0x10680] =	vst v63  }
0xd9: {  	v11 =	vld [tilespmem:$0x1D0];
	_ =	sdelay $0x4  }
0xda: {  	v57 =	vshll.u32 v11, $0x3  }
0xdb: {  	v11 =	vand.u32 $0x7, v11;
	v12 =	vand.u32 $0xFFFFFFC0, v57  }
0xdc: {  	v11 =	vor.u32 v11, v12  }
0xdd: {  	v12 =	vperm.xlane v11, v8;
	_ =	sdelay $0x1  }
0xde: {  	v12 =	vadd.s32 v9, v12;
	_ =	sdelay $0x4  }
0xdf: {  	[tilespmem:s3], [sflag:$0x1] =	stream.indirect_vreg.gather [hbm4b:s1+s4], $0x80, v12, vm0, $0xb8;
	[tilespmem:$0x10680] =	vst v63  }
0xe0: {  	v11 =	vperm.xlane v11, v10  }
0xe1: {  	[tilespmem:s13], [sflag:$0x1] =	stream.indirect_vreg.gather [hbm4b:s6+s4], $0x80, v12, vm0, $0xb8;
	[tilespmem:$0x10680] =	vst v63  }
0xe2: {  	v11 =	vadd.s32 v9, v11  }
0xe3: {  	[tilespmem:s15], [sflag:$0x1] =	stream.indirect_vreg.gather [hbm4b:s7+s4], $0x80, v12, vm0, $0xb8;
	[tilespmem:$0x10680] =	vst v63  }
0xe4: {  	_ = 	snop  }
0xe5: {  	[tilespmem:s16], [sflag:$0x1] =	stream.indirect_vreg.gather [hbm4b:s8+s4], $0x80, v12, vm0, $0xb8;
	[tilespmem:$0x10680] =	vst v63  }
0xe6: {  	_ = 	snop  }
0xe7: {  	[tilespmem:s17], [sflag:$0x1] =	stream.indirect_vreg.gather [hbm4b:s1+s4], $0x80, v11, vm0, $0xb8;
	[tilespmem:$0x10680] =	vst v63  }
0xe8: {  	_ = 	snop  }
0xe9: {  	[tilespmem:s18], [sflag:$0x1] =	stream.indirect_vreg.gather [hbm4b:s6+s4], $0x80, v11, vm0, $0xb8;
	[tilespmem:$0x10680] =	vst v63  }
0xea: {  	_ = 	snop  }
0xeb: {  	[tilespmem:s19], [sflag:$0x1] =	stream.indirect_vreg.gather [hbm4b:s7+s4], $0x80, v11, vm0, $0xb8;
	[tilespmem:$0x10680] =	vst v63  }
0xec: {  	_ = 	snop  }
0xed: {  	[tilespmem:s20], [sflag:$0x1] =	stream.indirect_vreg.gather [hbm4b:s8+s4], $0x80, v11, vm0, $0xb8;
	[tilespmem:$0x10680] =	vst v63  }
0xee: {  	v11 =	vld [tilespmem:$0x1E0];
	_ =	sdelay $0x4  }
0xef: {  	v58 =	vshll.u32 v11, $0x3  }
0xf0: {  	v11 =	vand.u32 $0x7, v11;
	v12 =	vand.u32 $0xFFFFFFC0, v58  }
0xf1: {  	v11 =	vor.u32 v11, v12  }
0xf2: {  	v12 =	vperm.xlane v11, v8;
	_ =	sdelay $0x1  }
0xf3: {  	v12 =	vadd.s32 v9, v12;
	_ =	sdelay $0x4  }
0xf4: {  	[tilespmem:s21], [sflag:$0x1] =	stream.indirect_vreg.gather [hbm4b:s1+s4], $0x80, v12, vm0, $0xb8;
	[tilespmem:$0x10680] =	vst v63  }
0xf5: {  	v11 =	vperm.xlane v11, v10  }
0xf6: {  	[tilespmem:s22], [sflag:$0x1] =	stream.indirect_vreg.gather [hbm4b:s6+s4], $0x80, v12, vm0, $0xb8;
	[tilespmem:$0x10680] =	vst v63  }
0xf7: {  	v11 =	vadd.s32 v9, v11  }
0xf8: {  	[tilespmem:s23], [sflag:$0x1] =	stream.indirect_vreg.gather [hbm4b:s7+s4], $0x80, v12, vm0, $0xb8;
	[tilespmem:$0x10680] =	vst v63  }
0xf9: {  	_ = 	snop  }
0xfa: {  	[tilespmem:s24], [sflag:$0x1] =	stream.indirect_vreg.gather [hbm4b:s8+s4], $0x80, v12, vm0, $0xb8;
	[tilespmem:$0x10680] =	vst v63  }
0xfb: {  	_ = 	snop  }
0xfc: {  	[tilespmem:s11], [sflag:$0x1] =	stream.indirect_vreg.gather [hbm4b:s1+s4], $0x80, v11, vm0, $0xb8;
	[tilespmem:$0x10680] =	vst v63  }
0xfd: {  	_ = 	snop  }
0xfe: {  	[tilespmem:s12], [sflag:$0x1] =	stream.indirect_vreg.gather [hbm4b:s6+s4], $0x80, v11, vm0, $0xb8;
	[tilespmem:$0x10680] =	vst v63  }
0xff: {  	_ = 	snop  }
0x100: {  	[tilespmem:s14], [sflag:$0x1] =	stream.indirect_vreg.gather [hbm4b:s7+s4], $0x80, v11, vm0, $0xb8;
	[tilespmem:$0x10680] =	vst v63  }
0x101: {  	s26 =	simm.s32 $0xBB80  }
0x102: {  	[tilespmem:s26], [sflag:$0x1] =	stream.indirect_vreg.gather [hbm4b:s8+s4], $0x80, v11, vm0, $0xb8;
	[tilespmem:$0x10680] =	vst v63  }
0x103: {  	v11 =	vld [tilespmem:$0x1F0];
	_ =	sdelay $0x4  }
0x104: {  	v59 =	vshll.u32 v11, $0x3  }
0x105: {  	v11 =	vand.u32 $0x7, v11;
	v12 =	vand.u32 $0xFFFFFFC0, v59  }
0x106: {  	v11 =	vor.u32 v11, v12  }
0x107: {  	v12 =	vperm.xlane v11, v8;
	_ =	sdelay $0x1  }
0x108: {  	v12 =	vadd.s32 v9, v12;
	_ =	sdelay $0x3  }
0x109: {  	s26 =	simm.s32 $0xC380  }
0x10a: {  	[tilespmem:s26], [sflag:$0x1] =	stream.indirect_vreg.gather [hbm4b:s1+s4], $0x80, v12, vm0, $0xb8;
	[tilespmem:$0x10680] =	vst v63  }
0x10b: {  	v11 =	vperm.xlane v11, v10;
	s26 =	simm.s32 $0xCB80  }
0x10c: {  	[tilespmem:s26], [sflag:$0x1] =	stream.indirect_vreg.gather [hbm4b:s6+s4], $0x80, v12, vm0, $0xb8;
	[tilespmem:$0x10680] =	vst v63  }
0x10d: {  	v11 =	vadd.s32 v9, v11;
	s26 =	simm.s32 $0xD380  }
0x10e: {  	[tilespmem:s26], [sflag:$0x1] =	stream.indirect_vreg.gather [hbm4b:s7+s4], $0x80, v12, vm0, $0xb8;
	[tilespmem:$0x10680] =	vst v63  }
0x10f: {  	s26 =	simm.s32 $0xDB80  }
0x110: {  	[tilespmem:s26], [sflag:$0x1] =	stream.indirect_vreg.gather [hbm4b:s8+s4], $0x80, v12, vm0, $0xb8;
	[tilespmem:$0x10680] =	vst v63  }
0x111: {  	s26 =	simm.s32 $0xE380  }
0x112: {  	[tilespmem:s26], [sflag:$0x1] =	stream.indirect_vreg.gather [hbm4b:s1+s4], $0x80, v11, vm0, $0xb8;
	[tilespmem:$0x10680] =	vst v63  }
0x113: {  	s26 =	simm.s32 $0xEB80  }
0x114: {  	[tilespmem:s26], [sflag:$0x1] =	stream.indirect_vreg.gather [hbm4b:s6+s4], $0x80, v11, vm0, $0xb8;
	[tilespmem:$0x10680] =	vst v63  }
0x115: {  	s26 =	simm.s32 $0xF380  }
0x116: {  	[tilespmem:s26], [sflag:$0x1] =	stream.indirect_vreg.gather [hbm4b:s7+s4], $0x80, v11, vm0, $0xb8;
	[tilespmem:$0x10680] =	vst v63  }
0x117: {  	s26 =	simm.s32 $0xFB80  }
0x118: {  	[tilespmem:s26], [sflag:$0x1] =	stream.indirect_vreg.gather [hbm4b:s8+s4], $0x80, v11, vm0, $0xb8;
	[tilespmem:$0x10680] =	vst v63  }
0x119: {  	_ =	swait.ge [sflag:s25], $0x10000  }
0x11a: {  	[sflag:s25] =	ssyncset.done $0x0  }
0x11b: {  	s26 =	rddreg [dreg:$0xe];
	[sflag:s25] =	ssyncadd.s32 $0xFFFF0000  }
0x11c: {  	[hbm4b:s26+s4] =	stream.linear.scatter [tilespmem:s0], [sflag:$0x2], $0x10000, $0x38;
	[tilespmem:$0x10680] =	vst v63  }
0x11d: {  	_ =	swait.ge [sflag:s10], $0x10000  }
0x11e: {  	[sflag:s10] =	ssyncset.done $0x0  }
0x11f: {  	[sflag:s10] =	ssyncadd.s32 $0xFFFF0000  }
0x120: {  	v11 =	vld [tilespmem:$0x200];
	_ =	sdelay $0x4  }
0x121: {  	v60 =	vshll.u32 v11, $0x3  }
0x122: {  	v11 =	vand.u32 $0x7, v11;
	v12 =	vand.u32 $0xFFFFFFC0, v60  }
0x123: {  	v11 =	vor.u32 v11, v12  }
0x124: {  	v12 =	vperm.xlane v11, v8;
	_ =	sdelay $0x1  }
0x125: {  	v12 =	vadd.s32 v9, v12;
	_ =	sdelay $0x4  }
0x126: {  	[tilespmem:s0], [sflag:$0x1] =	stream.indirect_vreg.gather [hbm4b:s1+s4], $0x80, v12, vm0, $0xb8;
	[tilespmem:$0x10680] =	vst v63  }
0x127: {  	v11 =	vperm.xlane v11, v10  }
0x128: {  	[tilespmem:s28], [sflag:$0x1] =	stream.indirect_vreg.gather [hbm4b:s6+s4], $0x80, v12, vm0, $0xb8;
	[tilespmem:$0x10680] =	vst v63  }
0x129: {  	v11 =	vadd.s32 v9, v11  }
0x12a: {  	[tilespmem:s29], [sflag:$0x1] =	stream.indirect_vreg.gather [hbm4b:s7+s4], $0x80, v12, vm0, $0xb8;
	[tilespmem:$0x10680] =	vst v63  }
0x12b: {  	_ = 	snop  }
0x12c: {  	[tilespmem:s30], [sflag:$0x1] =	stream.indirect_vreg.gather [hbm4b:s8+s4], $0x80, v12, vm0, $0xb8;
	[tilespmem:$0x10680] =	vst v63  }
0x12d: {  	_ = 	snop  }
0x12e: {  	[tilespmem:s31], [sflag:$0x1] =	stream.indirect_vreg.gather [hbm4b:s1+s4], $0x80, v11, vm0, $0xb8;
	[tilespmem:$0x10680] =	vst v63  }
0x12f: {  	s28 =	simm.s32 $0x2B80  }
0x130: {  	[tilespmem:s28], [sflag:$0x1] =	stream.indirect_vreg.gather [hbm4b:s6+s4], $0x80, v11, vm0, $0xb8;
	[tilespmem:$0x10680] =	vst v63  }
0x131: {  	_ = 	snop  }
0x132: {  	[tilespmem:s5], [sflag:$0x1] =	stream.indirect_vreg.gather [hbm4b:s7+s4], $0x80, v11, vm0, $0xb8;
	[tilespmem:$0x10680] =	vst v63  }
0x133: {  	_ = 	snop  }
0x134: {  	[tilespmem:s2], [sflag:$0x1] =	stream.indirect_vreg.gather [hbm4b:s8+s4], $0x80, v11, vm0, $0xb8;
	[tilespmem:$0x10680] =	vst v63  }
0x135: {  	v11 =	vld [tilespmem:$0x210];
	_ =	sdelay $0x4  }
0x136: {  	v61 =	vshll.u32 v11, $0x3  }
0x137: {  	v11 =	vand.u32 $0x7, v11;
	v12 =	vand.u32 $0xFFFFFFC0, v61  }
0x138: {  	v11 =	vor.u32 v11, v12  }
0x139: {  	v12 =	vperm.xlane v11, v8;
	_ =	sdelay $0x1  }
0x13a: {  	v12 =	vadd.s32 v9, v12;
	_ =	sdelay $0x4  }
0x13b: {  	[tilespmem:s3], [sflag:$0x1] =	stream.indirect_vreg.gather [hbm4b:s1+s4], $0x80, v12, vm0, $0xb8;
	[tilespmem:$0x10680] =	vst v63  }
0x13c: {  	v11 =	vperm.xlane v11, v10  }
0x13d: {  	[tilespmem:s13], [sflag:$0x1] =	stream.indirect_vreg.gather [hbm4b:s6+s4], $0x80, v12, vm0, $0xb8;
	[tilespmem:$0x10680] =	vst v63  }
0x13e: {  	v11 =	vadd.s32 v9, v11  }
0x13f: {  	[tilespmem:s15], [sflag:$0x1] =	stream.indirect_vreg.gather [hbm4b:s7+s4], $0x80, v12, vm0, $0xb8;
	[tilespmem:$0x10680] =	vst v63  }
0x140: {  	_ = 	snop  }
0x141: {  	[tilespmem:s16], [sflag:$0x1] =	stream.indirect_vreg.gather [hbm4b:s8+s4], $0x80, v12, vm0, $0xb8;
	[tilespmem:$0x10680] =	vst v63  }
0x142: {  	_ = 	snop  }
0x143: {  	[tilespmem:s17], [sflag:$0x1] =	stream.indirect_vreg.gather [hbm4b:s1+s4], $0x80, v11, vm0, $0xb8;
	[tilespmem:$0x10680] =	vst v63  }
0x144: {  	_ = 	snop  }
0x145: {  	[tilespmem:s18], [sflag:$0x1] =	stream.indirect_vreg.gather [hbm4b:s6+s4], $0x80, v11, vm0, $0xb8;
	[tilespmem:$0x10680] =	vst v63  }
0x146: {  	_ = 	snop  }
0x147: {  	[tilespmem:s19], [sflag:$0x1] =	stream.indirect_vreg.gather [hbm4b:s7+s4], $0x80, v11, vm0, $0xb8;
	[tilespmem:$0x10680] =	vst v63  }
0x148: {  	_ = 	snop  }
0x149: {  	[tilespmem:s20], [sflag:$0x1] =	stream.indirect_vreg.gather [hbm4b:s8+s4], $0x80, v11, vm0, $0xb8;
	[tilespmem:$0x10680] =	vst v63  }
0x14a: {  	v11 =	vld [tilespmem:$0x220];
	_ =	sdelay $0x4  }
0x14b: {  	v62 =	vshll.u32 v11, $0x3  }
0x14c: {  	v11 =	vand.u32 $0x7, v11;
	v12 =	vand.u32 $0xFFFFFFC0, v62  }
0x14d: {  	v11 =	vor.u32 v11, v12  }
0x14e: {  	v12 =	vperm.xlane v11, v8;
	_ =	sdelay $0x1  }
0x14f: {  	v12 =	vadd.s32 v9, v12;
	_ =	sdelay $0x4  }
0x150: {  	[tilespmem:s21], [sflag:$0x1] =	stream.indirect_vreg.gather [hbm4b:s1+s4], $0x80, v12, vm0, $0xb8;
	[tilespmem:$0x10680] =	vst v63  }
0x151: {  	v11 =	vperm.xlane v11, v10  }
0x152: {  	[tilespmem:s22], [sflag:$0x1] =	stream.indirect_vreg.gather [hbm4b:s6+s4], $0x80, v12, vm0, $0xb8;
	[tilespmem:$0x10680] =	vst v63  }
0x153: {  	v11 =	vadd.s32 v9, v11  }
0x154: {  	[tilespmem:s23], [sflag:$0x1] =	stream.indirect_vreg.gather [hbm4b:s7+s4], $0x80, v12, vm0, $0xb8;
	[tilespmem:$0x10680] =	vst v63  }
0x155: {  	_ = 	snop  }
0x156: {  	[tilespmem:s24], [sflag:$0x1] =	stream.indirect_vreg.gather [hbm4b:s8+s4], $0x80, v12, vm0, $0xb8;
	[tilespmem:$0x10680] =	vst v63  }
0x157: {  	_ = 	snop  }
0x158: {  	[tilespmem:s11], [sflag:$0x1] =	stream.indirect_vreg.gather [hbm4b:s1+s4], $0x80, v11, vm0, $0xb8;
	[tilespmem:$0x10680] =	vst v63  }
0x159: {  	_ = 	snop  }
0x15a: {  	[tilespmem:s12], [sflag:$0x1] =	stream.indirect_vreg.gather [hbm4b:s6+s4], $0x80, v11, vm0, $0xb8;
	[tilespmem:$0x10680] =	vst v63  }
0x15b: {  	_ = 	snop  }
0x15c: {  	[tilespmem:s14], [sflag:$0x1] =	stream.indirect_vreg.gather [hbm4b:s7+s4], $0x80, v11, vm0, $0xb8;
	[tilespmem:$0x10680] =	vst v63  }
0x15d: {  	s29 =	simm.s32 $0xBB80  }
0x15e: {  	[tilespmem:s29], [sflag:$0x1] =	stream.indirect_vreg.gather [hbm4b:s8+s4], $0x80, v11, vm0, $0xb8;
	[tilespmem:$0x10680] =	vst v63  }
0x15f: {  	v11 =	vld [tilespmem:$0x230];
	_ =	sdelay $0x4  }
0x160: {  	v63 =	vshll.u32 v11, $0x3  }
0x161: {  	v11 =	vand.u32 $0x7, v11;
	v12 =	vand.u32 $0xFFFFFFC0, v63  }
0x162: {  	v11 =	vor.u32 v11, v12  }
0x163: {  	v12 =	vperm.xlane v11, v8;
	_ =	sdelay $0x1  }
0x164: {  	v12 =	vadd.s32 v9, v12;
	_ =	sdelay $0x3  }
0x165: {  	s26 =	simm.s32 $0xC380  }
0x166: {  	[tilespmem:s26], [sflag:$0x1] =	stream.indirect_vreg.gather [hbm4b:s1+s4], $0x80, v12, vm0, $0xb8;
	[tilespmem:$0x10680] =	vst v63  }
0x167: {  	s28 =	simm.s32 $0xCB80;
	v11 =	vperm.xlane v11, v10  }
0x168: {  	[tilespmem:s28], [sflag:$0x1] =	stream.indirect_vreg.gather [hbm4b:s6+s4], $0x80, v12, vm0, $0xb8;
	[tilespmem:$0x10680] =	vst v63  }
0x169: {  	s29 =	simm.s32 $0xD380;
	v11 =	vadd.s32 v9, v11  }
0x16a: {  	[tilespmem:s29], [sflag:$0x1] =	stream.indirect_vreg.gather [hbm4b:s7+s4], $0x80, v12, vm0, $0xb8;
	[tilespmem:$0x10680] =	vst v63  }
0x16b: {  	s26 =	simm.s32 $0xDB80  }
0x16c: {  	[tilespmem:s26], [sflag:$0x1] =	stream.indirect_vreg.gather [hbm4b:s8+s4], $0x80, v12, vm0, $0xb8;
	[tilespmem:$0x10680] =	vst v63  }
0x16d: {  	s28 =	simm.s32 $0xE380  }
0x16e: {  	[tilespmem:s28], [sflag:$0x1] =	stream.indirect_vreg.gather [hbm4b:s1+s4], $0x80, v11, vm0, $0xb8;
	[tilespmem:$0x10680] =	vst v63  }
0x16f: {  	s29 =	simm.s32 $0xEB80  }
0x170: {  	[tilespmem:s29], [sflag:$0x1] =	stream.indirect_vreg.gather [hbm4b:s6+s4], $0x80, v11, vm0, $0xb8;
	[tilespmem:$0x10680] =	vst v63  }
0x171: {  	s26 =	simm.s32 $0xF380  }
0x172: {  	[tilespmem:s26], [sflag:$0x1] =	stream.indirect_vreg.gather [hbm4b:s7+s4], $0x80, v11, vm0, $0xb8;
	[tilespmem:$0x10680] =	vst v63  }
0x173: {  	s28 =	simm.s32 $0xFB80  }
0x174: {  	[tilespmem:s28], [sflag:$0x1] =	stream.indirect_vreg.gather [hbm4b:s8+s4], $0x80, v11, vm0, $0xb8;
	[tilespmem:$0x10680] =	vst v63  }
0x175: {  	_ =	swait.ge [sflag:s25], $0x10000  }
0x176: {  	p0 =	sne.s32 s9, $0x1;
	[sflag:s25] =	ssyncset.done $0x0  }
.Ltmp0:
0x177: {  	s29 =	rddreg [dreg:$0xf];
	[sflag:s25] =	ssyncadd.s32 $0xFFFF0000;
	(pc) =	sbr.rel @p0 .LBB2_1-.Ltmp0, $4  }
0x178: {  	[hbm4b:s29+s4] =	stream.linear.scatter [tilespmem:s0], [sflag:$0x2], $0x10000, $0x38;
	[tilespmem:$0x10680] =	vst v63  }
0x179: {  	_ =	swait.ge [sflag:s10], $0x10000  }
0x17a: {  	[sflag:s10] =	ssyncset.done $0x0  }
0x17b: {  	s9 =	sadd.s32 $0xFFFFFFFF, s9;
	[sflag:s10] =	ssyncadd.s32 $0xFFFF0000  }
0x17c: {  	_ =	sfence.sel $0x180000  }
0x17d: {  	[bflag:$0x0] =	sbarrier.arrive $0xFFFF  }
0x17e: {  	_ =	strace $0x90000047  }
0x17f: {  	s0 =	stileid.u32;
	[bflag:$0x2] =	sbarrier.arrive $0xFFFF  }
0x180: {  	p0 =	sne.s32 s0, $0x0;
	s0 =	rddreg [dreg:$0x5]  }
0x181: {  	s0 =	sadd.s32 @!p0 $0x100000, s0  }
0x182: {  	[sflag:s0] =	ssyncadd.tile.s32 @!p0 $0x1;
	_ =	shalt  }
.Lfunc_end2:
_tile_overlayer_lowered:
.L_overlay_start_2:
0x183: {  	(tag) =	ssettag $0x2  }
0x184: {  	s0 =	rddreg [dreg:$0x0];
	s2 =	stileid.u32  }
0x185: {  	s1 =	rddreg [dreg:$0x1];
	p0 =	sne.s32 s2, $0x0  }
0x186: {  	s3 =	rddreg [dreg:$0x2];
	[bflag:$0x3] =	sbarrier.arrive $0xFFFF;
	s2 =	simm.s32 @!p0 $0x1C02  }
0x187: {  	[timem:s3], [sflag:s2] =	dma.local @!p0 [hbm:s0], s1  }
0x188: {  	s0 =	simm.s32 @!p0 $0x2  }
0x189: {  	_ =	swait.ge @!p0 [sflag:s0], s1  }
0x18a: {  	s1 =	ssub.s32 @!p0 $0x0, s1;
	[sflag:s0] =	ssyncset.done @!p0 $0x0  }
0x18b: {  	[sflag:s0] =	ssyncadd.s32 @!p0 s1  }
0x18c: {  	[bflag:$0x3] =	sbarrier.arrive $0xFFFF  }
0x18d: {  	_ =	shalt  }

</sc_bundles>
